<compile_context>
chip_gen: v7x
topology: tpu7x:2x2x1
jax: 0.10.2.dev20260603
libtpu: 0.0.44.dev20260713+nightly
codegen_flags: <defaults>
</compile_context>

<pallas_src>
import functools

import jax
import jax.numpy as jnp
from jax import lax
from jax.experimental import pallas as pl
from jax.experimental.pallas import tpu as pltpu
from jax.experimental.pallas import tpu_sc as plsc

NN = 10000
NE = 320000
D = 128
NL = 4
NG = 64
NCLS = 10

NCORES = 2
NSUB = 16
NW = NCORES * NSUB
K = 80
EPT = NE // NW
NCHUNK = EPT // K
NN_PAD = 10240
ROWS_PER_SUB = NN_PAD // NSUB

BM = 2000
NBLK = NN // BM


def _sc_body(h_hbm, src_hbm, dst_hbm, zeros_hbm, out_hbm,
             src_v, dst_v, rows_v, agg_sh, sem):
    c = lax.axis_index("c")
    s = lax.axis_index("s")
    wid = c * NSUB + s

    pltpu.sync_copy(zeros_hbm.at[pl.ds(s * ROWS_PER_SUB, ROWS_PER_SUB)],
                    agg_sh.at[pl.ds(s * ROWS_PER_SUB, ROWS_PER_SUB)])
    pltpu.sync_copy(src_hbm.at[wid], src_v)
    pltpu.sync_copy(dst_hbm.at[wid], dst_v)
    plsc.subcore_barrier()

    def body(j, carry):
        pltpu.async_copy(h_hbm.at[src_v.at[j]], rows_v, sem).wait()
        pltpu.sync_copy(rows_v, agg_sh.at[dst_v.at[j]], add=True)
        return carry

    lax.fori_loop(0, NCHUNK, body, 0)
    plsc.subcore_barrier()
    pltpu.sync_copy(agg_sh.at[pl.ds(s * ROWS_PER_SUB, ROWS_PER_SUB)],
                    out_hbm.at[c, pl.ds(s * ROWS_PER_SUB, ROWS_PER_SUB)])


_sc_segment_sum = functools.partial(
    pl.kernel,
    mesh=plsc.VectorSubcoreMesh(core_axis_name="c", subcore_axis_name="s"),
    out_type=jax.ShapeDtypeStruct((NCORES, NN_PAD, D), jnp.float32),
    scratch_types=[
        pltpu.VMEM((NCHUNK, K), jnp.int32),
        pltpu.VMEM((NCHUNK, K), jnp.int32),
        pltpu.VMEM((K, D), jnp.float32),
        pltpu.VMEM_SHARED((NN_PAD, D), jnp.float32),
        pltpu.SemaphoreType.DMA,
    ],
)(_sc_body)


def _sigmoid(x):
    return 1.0 / (1.0 + jnp.exp(-x))


def _mlp_body(h_ref, a0_ref, a1_ref, w1_ref, w2_ref, o_ref):
    t = h_ref[...] + a0_ref[...] + a1_ref[...]
    t = _sigmoid(jnp.dot(t, w1_ref[...], preferred_element_type=jnp.float32))
    o_ref[...] = _sigmoid(
        jnp.dot(t, w2_ref[...], preferred_element_type=jnp.float32))


def _tc_mlp(h, a0, a1, w1, w2):
    blk = pl.BlockSpec((BM, D), lambda i: (i, 0))
    wblk = pl.BlockSpec((D, D), lambda i: (0, 0))
    return pl.pallas_call(
        _mlp_body,
        grid=(NBLK,),
        in_specs=[blk, blk, blk, wblk, wblk],
        out_specs=blk,
        out_shape=jax.ShapeDtypeStruct((NN, D), jnp.float32),
    )(h, a0, a1, w1, w2)


def _pool_body(ids_ref, h_ref, fcw_ref, fcb_ref, xr_ref, lp_ref):
    i = pl.program_id(0)

    @pl.when(i == 0)
    def _init():
        xr_ref[...] = jnp.zeros_like(xr_ref)

    ids = ids_ref[0, :, :]
    gid = lax.broadcasted_iota(jnp.int32, (NG, BM), 0)
    onehot = (gid == ids).astype(jnp.float32)
    xr_ref[...] += jnp.dot(onehot, h_ref[...],
                           preferred_element_type=jnp.float32)

    @pl.when(i == NBLK - 1)
    def _final():
        xr = xr_ref[...]
        logits = jnp.dot(xr, fcw_ref[...],
                         preferred_element_type=jnp.float32) + fcb_ref[...]
        valid = lax.broadcasted_iota(jnp.int32, (NG, D), 1) < NCLS
        masked = jnp.where(valid, logits, -jnp.inf)
        m = jnp.max(masked, axis=1, keepdims=True)
        e = jnp.where(valid, jnp.exp(logits - m), 0.0)
        lse = jnp.log(jnp.sum(e, axis=1, keepdims=True)) + m
        lp_ref[...] = logits - lse


def _tc_pool(ids3, h, fcw_p, fcb_p):
    return pl.pallas_call(
        _pool_body,
        grid=(NBLK,),
        in_specs=[
            pl.BlockSpec((1, 1, BM), lambda i: (i, 0, 0)),
            pl.BlockSpec((BM, D), lambda i: (i, 0)),
            pl.BlockSpec((D, D), lambda i: (0, 0)),
            pl.BlockSpec((1, D), lambda i: (0, 0)),
        ],
        out_specs=[
            pl.BlockSpec((NG, D), lambda i: (0, 0)),
            pl.BlockSpec((NG, D), lambda i: (0, 0)),
        ],
        out_shape=[
            jax.ShapeDtypeStruct((NG, D), jnp.float32),
            jax.ShapeDtypeStruct((NG, D), jnp.float32),
        ],
    )(ids3, h, fcw_p, fcb_p)


def kernel(x, edge_index, batch, Ws1, Ws2, fc_w, fc_b):
    src = edge_index[0].reshape(NW, NCHUNK, K)
    dst = edge_index[1].reshape(NW, NCHUNK, K)
    zeros = jnp.zeros((NN_PAD, D), jnp.float32)
    ids3 = batch.reshape(NBLK, 1, BM)
    fcw_p = jnp.zeros((D, D), jnp.float32).at[:, :NCLS].set(fc_w)
    fcb_p = jnp.zeros((1, D), jnp.float32).at[0, :NCLS].set(fc_b)

    h = x
    for l in range(NL):
        aggs = _sc_segment_sum(h, src, dst, zeros)
        h = _tc_mlp(h, aggs[0], aggs[1], Ws1[l], Ws2[l])

    xr, logp = _tc_pool(ids3, h, fcw_p, fcb_p)
    return logp[:, :NCLS], xr

# --- scband reference (transcript-rebuilt; emitter-appended) ---
"""Pipeline reference for scband-gin-70325794504770 (READ-ONLY COPY).

The authoritative reference and input builder live on the scoring server;
editing this copy changes nothing except your own understanding.
"""

import jax, jax.numpy as jnp
import numpy as np

N_NODES = 10000
N_EDGES = 320000
D = 128
N_CLASSES = 10
N_LAYERS = 4
N_GRAPHS = 64


def setup_inputs(seed: int = 0) -> dict:
    key = jax.random.key(seed)
    ks = jax.random.split(key, 8)
    x = jax.random.normal(ks[0], (N_NODES, D), dtype=jnp.float32)
    edge_index = jax.random.randint(ks[1], (2, N_EDGES), 0, N_NODES, dtype=jnp.int32)
    batch = jnp.sort(jax.random.randint(ks[2], (N_NODES,), 0, N_GRAPHS, dtype=jnp.int32))
    scale = 1.0 / np.sqrt(D)
    # Per-layer GIN MLP weights: two Linear(D, D, bias=False) per layer
    Ws1 = jax.random.normal(ks[3], (N_LAYERS, D, D), dtype=jnp.float32) * scale
    Ws2 = jax.random.normal(ks[4], (N_LAYERS, D, D), dtype=jnp.float32) * scale
    # Final classifier fc1: Linear(D, N_CLASSES) with bias
    fc_w = jax.random.normal(ks[5], (D, N_CLASSES), dtype=jnp.float32) * scale
    fc_b = jnp.zeros((N_CLASSES,), dtype=jnp.float32)
    return {"x": x, "edge_index": edge_index, "batch": batch,
            "Ws1": Ws1, "Ws2": Ws2, "fc_w": fc_w, "fc_b": fc_b}


def reference(x, edge_index, batch, Ws1, Ws2, fc_w, fc_b):
    src = edge_index[0]
    dst = edge_index[1]
    h = x
    for l in range(N_LAYERS):
        # GINConv with eps=0 (default, train_eps=False):
        # out = MLP((1 + eps) * x + sum_{j in N(i)} x_j)
        agg = jax.ops.segment_sum(h[src], dst, num_segments=N_NODES)
        h2 = h + agg
        # MLP([D, D, D], batch_norm=False, bias=False, plain_last=False, act=sigmoid)
        h2 = jax.nn.sigmoid(h2 @ Ws1[l])
        h2 = jax.nn.sigmoid(h2 @ Ws2[l])
        h = h2
    # global_add_pool over graph assignment ids
    xr = jax.ops.segment_sum(h, batch, num_segments=N_GRAPHS)
    logits = xr @ fc_w + fc_b
    return (jax.nn.log_softmax(logits, axis=1), xr)

if __name__ == "__main__":
    import jax
    _d = setup_inputs()
    print(jax.jit(kernel)(*tuple(_d.values())))

</pallas_src>

<mosaic_0001>
#map = affine_map<(d0, d1) -> (0, 0)>
#map1 = affine_map<(d0, d1) -> (0, 0, 0)>
module attributes {stable_mosaic.version = 14 : i64} {
  func.func @_sc_body(%arg0: i32, %arg1: i32, %arg2: memref<10000x128xf32, #tpu.memory_space<hbm>>, %arg3: memref<32x125x80xi32, #tpu.memory_space<hbm>>, %arg4: memref<32x125x80xi32, #tpu.memory_space<hbm>>, %arg5: memref<10240x128xf32, #tpu.memory_space<hbm>>, %arg6: memref<2x10240x128xf32, #tpu.memory_space<hbm>>, %arg7: memref<125x80xi32, #tpu.memory_space<vmem>>, %arg8: memref<125x80xi32, #tpu.memory_space<vmem>>, %arg9: memref<80x128xf32, #tpu.memory_space<vmem>>, %arg10: memref<10240x128xf32, #tpu.memory_space<vmem_shared>>, %arg11: memref<!tpu.dma_semaphore, #tpu.memory_space<semaphore_mem>>) attributes {dimension_semantics = [#tpu.dimension_semantics<core_parallel>, #tpu.dimension_semantics<subcore_parallel>], iteration_bounds = array<i64: 2, 16>, scalar_prefetch = 0 : i64, scratch_operands = 5 : i64, tpu.core_type = #tpu.core_type<sc_vector_subcore>, window_params = [{transform_indices = #map}, {transform_indices = #map1}, {transform_indices = #map1}, {transform_indices = #map}, {transform_indices = #map1}]} {
    %mul3A = arith.constant 16 : i32
    %mul3A_0 = arith.muli %arg0, %mul3A : i32
    %add3A = arith.addi %mul3A_0, %arg1 : i32
    %mul3A_1 = arith.constant 640 : i32
    %mul3A_2 = arith.muli %arg1, %mul3A_1 : i32
    %mul3A_3 = arith.constant 640 : i32
    %mul3A_4 = arith.muli %arg1, %mul3A_3 : i32
    "tpu.region"() ({
      %run_scoped3A = tpu.sem_alloc : memref<!tpu.dma_semaphore, #tpu.memory_space<semaphore_mem>>
      %dma_start3A = arith.constant 0 : i32
      %dma_start3A_15 = tpu.memref_slice %arg10[%mul3A_4, %dma_start3A] : memref<10240x128xf32, #tpu.memory_space<vmem_shared>> -> memref<640x128xf32, #tpu.memory_space<vmem_shared>>
      %dma_start3A_16 = arith.constant 0 : i32
      %dma_start3A_17 = tpu.memref_slice %arg5[%mul3A_2, %dma_start3A_16] : memref<10240x128xf32, #tpu.memory_space<hbm>> -> memref<640x128xf32, #tpu.memory_space<hbm>>
      tpu.enqueue_dma source(%dma_start3A_17 : memref<640x128xf32, #tpu.memory_space<hbm>>) target(%dma_start3A_15 : memref<640x128xf32, #tpu.memory_space<vmem_shared>>) target_semaphore(%run_scoped3A : memref<!tpu.dma_semaphore, #tpu.memory_space<semaphore_mem>>)
      %dma_wait3A = arith.constant 0 : i32
      %dma_wait3A_18 = tpu.memref_slice %arg10[%mul3A_4, %dma_wait3A] : memref<10240x128xf32, #tpu.memory_space<vmem_shared>> -> memref<640x128xf32, #tpu.memory_space<vmem_shared>>
      %dma_wait3A_19 = arith.constant 0 : i32
      %dma_wait3A_20 = tpu.memref_slice %arg5[%mul3A_2, %dma_wait3A_19] : memref<10240x128xf32, #tpu.memory_space<hbm>> -> memref<640x128xf32, #tpu.memory_space<hbm>>
      tpu.wait_dma2 semaphore(%run_scoped3A : memref<!tpu.dma_semaphore, #tpu.memory_space<semaphore_mem>>) src(%dma_wait3A_20 : memref<640x128xf32, #tpu.memory_space<hbm>>) dst(%dma_wait3A_18 : memref<640x128xf32, #tpu.memory_space<vmem_shared>>)
      tpu.yield
    }) : () -> ()
    "tpu.region"() ({
      %run_scoped3A = tpu.sem_alloc : memref<!tpu.dma_semaphore, #tpu.memory_space<semaphore_mem>>
      %dma_start3A = arith.constant 0 : i32
      %dma_start3A_15 = arith.constant 0 : i32
      %dma_start3A_16 = tpu.memref_slice %arg3[%add3A, %dma_start3A, %dma_start3A_15] : memref<32x125x80xi32, #tpu.memory_space<hbm>> -> memref<1x125x80xi32, #tpu.memory_space<hbm>>
      %dma_start3A_17 = tpu.memref_squeeze %dma_start3A_16 : memref<1x125x80xi32, #tpu.memory_space<hbm>> -> memref<125x80xi32, #tpu.memory_space<hbm>>
      %dma_start3A_18 = arith.constant 0 : i32
      %dma_start3A_19 = arith.constant 0 : i32
      %dma_start3A_20 = tpu.memref_slice %arg3[%add3A, %dma_start3A_18, %dma_start3A_19] : memref<32x125x80xi32, #tpu.memory_space<hbm>> -> memref<1x125x80xi32, #tpu.memory_space<hbm>>
      %dma_start3A_21 = tpu.memref_squeeze %dma_start3A_20 : memref<1x125x80xi32, #tpu.memory_space<hbm>> -> memref<125x80xi32, #tpu.memory_space<hbm>>
      tpu.enqueue_dma source(%dma_start3A_21 : memref<125x80xi32, #tpu.memory_space<hbm>>) target(%arg7 : memref<125x80xi32, #tpu.memory_space<vmem>>) target_semaphore(%run_scoped3A : memref<!tpu.dma_semaphore, #tpu.memory_space<semaphore_mem>>)
      %dma_wait3A = arith.constant 0 : i32
      %dma_wait3A_22 = arith.constant 0 : i32
      %dma_wait3A_23 = tpu.memref_slice %arg3[%add3A, %dma_wait3A, %dma_wait3A_22] : memref<32x125x80xi32, #tpu.memory_space<hbm>> -> memref<1x125x80xi32, #tpu.memory_space<hbm>>
      %dma_wait3A_24 = tpu.memref_squeeze %dma_wait3A_23 : memref<1x125x80xi32, #tpu.memory_space<hbm>> -> memref<125x80xi32, #tpu.memory_space<hbm>>
      %dma_wait3A_25 = arith.constant 0 : i32
      %dma_wait3A_26 = arith.constant 0 : i32
      %dma_wait3A_27 = tpu.memref_slice %arg3[%add3A, %dma_wait3A_25, %dma_wait3A_26] : memref<32x125x80xi32, #tpu.memory_space<hbm>> -> memref<1x125x80xi32, #tpu.memory_space<hbm>>
      %dma_wait3A_28 = tpu.memref_squeeze %dma_wait3A_27 : memref<1x125x80xi32, #tpu.memory_space<hbm>> -> memref<125x80xi32, #tpu.memory_space<hbm>>
      tpu.wait_dma2 semaphore(%run_scoped3A : memref<!tpu.dma_semaphore, #tpu.memory_space<semaphore_mem>>) src(%dma_wait3A_28 : memref<125x80xi32, #tpu.memory_space<hbm>>) dst(%arg7 : memref<125x80xi32, #tpu.memory_space<vmem>>)
      tpu.yield
    }) : () -> ()
    "tpu.region"() ({
      %run_scoped3A = tpu.sem_alloc : memref<!tpu.dma_semaphore, #tpu.memory_space<semaphore_mem>>
      %dma_start3A = arith.constant 0 : i32
      %dma_start3A_15 = arith.constant 0 : i32
      %dma_start3A_16 = tpu.memref_slice %arg4[%add3A, %dma_start3A, %dma_start3A_15] : memref<32x125x80xi32, #tpu.memory_space<hbm>> -> memref<1x125x80xi32, #tpu.memory_space<hbm>>
      %dma_start3A_17 = tpu.memref_squeeze %dma_start3A_16 : memref<1x125x80xi32, #tpu.memory_space<hbm>> -> memref<125x80xi32, #tpu.memory_space<hbm>>
      %dma_start3A_18 = arith.constant 0 : i32
      %dma_start3A_19 = arith.constant 0 : i32
      %dma_start3A_20 = tpu.memref_slice %arg4[%add3A, %dma_start3A_18, %dma_start3A_19] : memref<32x125x80xi32, #tpu.memory_space<hbm>> -> memref<1x125x80xi32, #tpu.memory_space<hbm>>
      %dma_start3A_21 = tpu.memref_squeeze %dma_start3A_20 : memref<1x125x80xi32, #tpu.memory_space<hbm>> -> memref<125x80xi32, #tpu.memory_space<hbm>>
      tpu.enqueue_dma source(%dma_start3A_21 : memref<125x80xi32, #tpu.memory_space<hbm>>) target(%arg8 : memref<125x80xi32, #tpu.memory_space<vmem>>) target_semaphore(%run_scoped3A : memref<!tpu.dma_semaphore, #tpu.memory_space<semaphore_mem>>)
      %dma_wait3A = arith.constant 0 : i32
      %dma_wait3A_22 = arith.constant 0 : i32
      %dma_wait3A_23 = tpu.memref_slice %arg4[%add3A, %dma_wait3A, %dma_wait3A_22] : memref<32x125x80xi32, #tpu.memory_space<hbm>> -> memref<1x125x80xi32, #tpu.memory_space<hbm>>
      %dma_wait3A_24 = tpu.memref_squeeze %dma_wait3A_23 : memref<1x125x80xi32, #tpu.memory_space<hbm>> -> memref<125x80xi32, #tpu.memory_space<hbm>>
      %dma_wait3A_25 = arith.constant 0 : i32
      %dma_wait3A_26 = arith.constant 0 : i32
      %dma_wait3A_27 = tpu.memref_slice %arg4[%add3A, %dma_wait3A_25, %dma_wait3A_26] : memref<32x125x80xi32, #tpu.memory_space<hbm>> -> memref<1x125x80xi32, #tpu.memory_space<hbm>>
      %dma_wait3A_28 = tpu.memref_squeeze %dma_wait3A_27 : memref<1x125x80xi32, #tpu.memory_space<hbm>> -> memref<125x80xi32, #tpu.memory_space<hbm>>
      tpu.wait_dma2 semaphore(%run_scoped3A : memref<!tpu.dma_semaphore, #tpu.memory_space<semaphore_mem>>) src(%dma_wait3A_28 : memref<125x80xi32, #tpu.memory_space<hbm>>) dst(%arg8 : memref<125x80xi32, #tpu.memory_space<vmem>>)
      tpu.yield
    }) : () -> ()
    %barrier3A = arith.constant 0 : index
    tpu.barrier barrier_id(%barrier3A)
    %scan3A = arith.constant 0 : i32
    %scan3A_5 = arith.constant 0 : i32
    %scan3A_6 = arith.constant 125 : i32
    %scan3A_7 = arith.addi %scan3A_5, %scan3A_6 : i32
    %scan3A_8 = arith.constant 1 : i32
    scf.for %scan3A_15 = %scan3A_5 to %scan3A_7 step %scan3A_8  : i32 {
      %dma_start3A = arith.constant 0 : i32
      %dma_start3A_16 = tpu.memref_slice %arg7[%scan3A_15, %dma_start3A] : memref<125x80xi32, #tpu.memory_space<vmem>> -> memref<1x80xi32, #tpu.memory_space<vmem>>
      %dma_start3A_17 = tpu.memref_squeeze %dma_start3A_16 : memref<1x80xi32, #tpu.memory_space<vmem>> -> memref<80xi32, #tpu.memory_space<vmem>>
      %dma_start3A_18 = arith.constant 0 : i32
      %dma_start3A_19 = arith.constant 0 : i32
      %dma_start3A_20 = tpu.memref_slice %arg2[%dma_start3A_18, %dma_start3A_19] : memref<10000x128xf32, #tpu.memory_space<hbm>> -> memref<10000x128xf32, #tpu.memory_space<hbm>>
      tpu.enqueue_indirect_dma source(%dma_start3A_20 : memref<10000x128xf32, #tpu.memory_space<hbm>>) target(%arg9 : memref<80x128xf32, #tpu.memory_space<vmem>>) offsets(%dma_start3A_17 : memref<80xi32, #tpu.memory_space<vmem>>) semaphore(%arg11 : memref<!tpu.dma_semaphore, #tpu.memory_space<semaphore_mem>>)
      %dma_wait3A = arith.constant 0 : i32
      %dma_wait3A_21 = tpu.memref_slice %arg7[%scan3A_15, %dma_wait3A] : memref<125x80xi32, #tpu.memory_space<vmem>> -> memref<1x80xi32, #tpu.memory_space<vmem>>
      %dma_wait3A_22 = tpu.memref_squeeze %dma_wait3A_21 : memref<1x80xi32, #tpu.memory_space<vmem>> -> memref<80xi32, #tpu.memory_space<vmem>>
      %dma_wait3A_23 = arith.constant 0 : i32
      %dma_wait3A_24 = arith.constant 0 : i32
      %dma_wait3A_25 = tpu.memref_slice %arg2[%dma_wait3A_23, %dma_wait3A_24] : memref<10000x128xf32, #tpu.memory_space<hbm>> -> memref<10000x128xf32, #tpu.memory_space<hbm>>
      tpu.wait_indirect_dma semaphore(%arg11 : memref<!tpu.dma_semaphore, #tpu.memory_space<semaphore_mem>>) src(%dma_wait3A_25 : memref<10000x128xf32, #tpu.memory_space<hbm>>) dst(%arg9 : memref<80x128xf32, #tpu.memory_space<vmem>>)
      "tpu.region"() ({
        %run_scoped3A = tpu.sem_alloc : memref<!tpu.dma_semaphore, #tpu.memory_space<semaphore_mem>>
        %dma_start3A_26 = arith.constant 0 : i32
        %dma_start3A_27 = tpu.memref_slice %arg8[%scan3A_15, %dma_start3A_26] : memref<125x80xi32, #tpu.memory_space<vmem>> -> memref<1x80xi32, #tpu.memory_space<vmem>>
        %dma_start3A_28 = tpu.memref_squeeze %dma_start3A_27 : memref<1x80xi32, #tpu.memory_space<vmem>> -> memref<80xi32, #tpu.memory_space<vmem>>
        %dma_start3A_29 = arith.constant 0 : i32
        %dma_start3A_30 = arith.constant 0 : i32
        %dma_start3A_31 = tpu.memref_slice %arg10[%dma_start3A_29, %dma_start3A_30] : memref<10240x128xf32, #tpu.memory_space<vmem_shared>> -> memref<10240x128xf32, #tpu.memory_space<vmem_shared>>
        tpu.enqueue_indirect_dma source(%arg9 : memref<80x128xf32, #tpu.memory_space<vmem>>) target(%dma_start3A_31 : memref<10240x128xf32, #tpu.memory_space<vmem_shared>>) offsets(%dma_start3A_28 : memref<80xi32, #tpu.memory_space<vmem>>) semaphore(%run_scoped3A : memref<!tpu.dma_semaphore, #tpu.memory_space<semaphore_mem>>) {add = true}
        %dma_wait3A_32 = arith.constant 0 : i32
        %dma_wait3A_33 = tpu.memref_slice %arg8[%scan3A_15, %dma_wait3A_32] : memref<125x80xi32, #tpu.memory_space<vmem>> -> memref<1x80xi32, #tpu.memory_space<vmem>>
        %dma_wait3A_34 = tpu.memref_squeeze %dma_wait3A_33 : memref<1x80xi32, #tpu.memory_space<vmem>> -> memref<80xi32, #tpu.memory_space<vmem>>
        %dma_wait3A_35 = arith.constant 0 : i32
        %dma_wait3A_36 = arith.constant 0 : i32
        %dma_wait3A_37 = tpu.memref_slice %arg10[%dma_wait3A_35, %dma_wait3A_36] : memref<10240x128xf32, #tpu.memory_space<vmem_shared>> -> memref<10240x128xf32, #tpu.memory_space<vmem_shared>>
        tpu.wait_indirect_dma semaphore(%run_scoped3A : memref<!tpu.dma_semaphore, #tpu.memory_space<semaphore_mem>>) src(%arg9 : memref<80x128xf32, #tpu.memory_space<vmem>>) dst(%dma_wait3A_37 : memref<10240x128xf32, #tpu.memory_space<vmem_shared>>)
        tpu.yield
      }) : () -> ()
    }
    %scan3A_9 = arith.constant 125 : i32
    %barrier3A_10 = arith.constant 0 : index
    tpu.barrier barrier_id(%barrier3A_10)
    %mul3A_11 = arith.constant 640 : i32
    %mul3A_12 = arith.muli %arg1, %mul3A_11 : i32
    %mul3A_13 = arith.constant 640 : i32
    %mul3A_14 = arith.muli %arg1, %mul3A_13 : i32
    "tpu.region"() ({
      %run_scoped3A = tpu.sem_alloc : memref<!tpu.dma_semaphore, #tpu.memory_space<semaphore_mem>>
      %dma_start3A = arith.constant 0 : i32
      %dma_start3A_15 = tpu.memref_slice %arg6[%arg0, %mul3A_14, %dma_start3A] : memref<2x10240x128xf32, #tpu.memory_space<hbm>> -> memref<1x640x128xf32, #tpu.memory_space<hbm>>
      %dma_start3A_16 = tpu.memref_squeeze %dma_start3A_15 : memref<1x640x128xf32, #tpu.memory_space<hbm>> -> memref<640x128xf32, #tpu.memory_space<hbm>>
      %dma_start3A_17 = arith.constant 0 : i32
      %dma_start3A_18 = tpu.memref_slice %arg10[%mul3A_12, %dma_start3A_17] : memref<10240x128xf32, #tpu.memory_space<vmem_shared>> -> memref<640x128xf32, #tpu.memory_space<vmem_shared>>
      tpu.enqueue_dma source(%dma_start3A_18 : memref<640x128xf32, #tpu.memory_space<vmem_shared>>) target(%dma_start3A_16 : memref<640x128xf32, #tpu.memory_space<hbm>>) target_semaphore(%run_scoped3A : memref<!tpu.dma_semaphore, #tpu.memory_space<semaphore_mem>>)
      %dma_wait3A = arith.constant 0 : i32
      %dma_wait3A_19 = tpu.memref_slice %arg6[%arg0, %mul3A_14, %dma_wait3A] : memref<2x10240x128xf32, #tpu.memory_space<hbm>> -> memref<1x640x128xf32, #tpu.memory_space<hbm>>
      %dma_wait3A_20 = tpu.memref_squeeze %dma_wait3A_19 : memref<1x640x128xf32, #tpu.memory_space<hbm>> -> memref<640x128xf32, #tpu.memory_space<hbm>>
      %dma_wait3A_21 = arith.constant 0 : i32
      %dma_wait3A_22 = tpu.memref_slice %arg10[%mul3A_12, %dma_wait3A_21] : memref<10240x128xf32, #tpu.memory_space<vmem_shared>> -> memref<640x128xf32, #tpu.memory_space<vmem_shared>>
      tpu.wait_dma2 semaphore(%run_scoped3A : memref<!tpu.dma_semaphore, #tpu.memory_space<semaphore_mem>>) src(%dma_wait3A_22 : memref<640x128xf32, #tpu.memory_space<vmem_shared>>) dst(%dma_wait3A_20 : memref<640x128xf32, #tpu.memory_space<hbm>>)
      tpu.yield
    }) : () -> ()
    return
  }
}

#map = affine_map<(d0, d1) -> (0, 0)>
#map1 = affine_map<(d0, d1) -> (0, 0, 0)>
module attributes {stable_mosaic.version = 14 : i64} {
  func.func @_sc_body(%arg0: i32, %arg1: i32, %arg2: memref<10000x128xf32, #tpu.memory_space<hbm>>, %arg3: memref<32x125x80xi32, #tpu.memory_space<hbm>>, %arg4: memref<32x125x80xi32, #tpu.memory_space<hbm>>, %arg5: memref<10240x128xf32, #tpu.memory_space<hbm>>, %arg6: memref<2x10240x128xf32, #tpu.memory_space<hbm>>, %arg7: memref<125x80xi32, #tpu.memory_space<vmem>>, %arg8: memref<125x80xi32, #tpu.memory_space<vmem>>, %arg9: memref<80x128xf32, #tpu.memory_space<vmem>>, %arg10: memref<10240x128xf32, #tpu.memory_space<vmem_shared>>, %arg11: memref<!tpu.dma_semaphore, #tpu.memory_space<semaphore_mem>>) attributes {dimension_semantics = [#tpu.dimension_semantics<core_parallel>, #tpu.dimension_semantics<subcore_parallel>], iteration_bounds = array<i64: 2, 16>, scalar_prefetch = 0 : i64, scratch_operands = 5 : i64, tpu.core_type = #tpu.core_type<sc_vector_subcore>, window_params = [{transform_indices = #map}, {transform_indices = #map1}, {transform_indices = #map1}, {transform_indices = #map}, {transform_indices = #map1}]} {
    %mul3A = arith.constant 16 : i32
    %mul3A_0 = arith.muli %arg0, %mul3A : i32
    %add3A = arith.addi %mul3A_0, %arg1 : i32
    %mul3A_1 = arith.constant 640 : i32
    %mul3A_2 = arith.muli %arg1, %mul3A_1 : i32
    %mul3A_3 = arith.constant 640 : i32
    %mul3A_4 = arith.muli %arg1, %mul3A_3 : i32
    "tpu.region"() ({
      %run_scoped3A = tpu.sem_alloc : memref<!tpu.dma_semaphore, #tpu.memory_space<semaphore_mem>>
      %dma_start3A = arith.constant 0 : i32
      %dma_start3A_15 = tpu.memref_slice %arg10[%mul3A_4, %dma_start3A] : memref<10240x128xf32, #tpu.memory_space<vmem_shared>> -> memref<640x128xf32, #tpu.memory_space<vmem_shared>>
      %dma_start3A_16 = arith.constant 0 : i32
      %dma_start3A_17 = tpu.memref_slice %arg5[%mul3A_2, %dma_start3A_16] : memref<10240x128xf32, #tpu.memory_space<hbm>> -> memref<640x128xf32, #tpu.memory_space<hbm>>
      tpu.enqueue_dma source(%dma_start3A_17 : memref<640x128xf32, #tpu.memory_space<hbm>>) target(%dma_start3A_15 : memref<640x128xf32, #tpu.memory_space<vmem_shared>>) target_semaphore(%run_scoped3A : memref<!tpu.dma_semaphore, #tpu.memory_space<semaphore_mem>>)
      %dma_wait3A = arith.constant 0 : i32
      %dma_wait3A_18 = tpu.memref_slice %arg10[%mul3A_4, %dma_wait3A] : memref<10240x128xf32, #tpu.memory_space<vmem_shared>> -> memref<640x128xf32, #tpu.memory_space<vmem_shared>>
      %dma_wait3A_19 = arith.constant 0 : i32
      %dma_wait3A_20 = tpu.memref_slice %arg5[%mul3A_2, %dma_wait3A_19] : memref<10240x128xf32, #tpu.memory_space<hbm>> -> memref<640x128xf32, #tpu.memory_space<hbm>>
      tpu.wait_dma2 semaphore(%run_scoped3A : memref<!tpu.dma_semaphore, #tpu.memory_space<semaphore_mem>>) src(%dma_wait3A_20 : memref<640x128xf32, #tpu.memory_space<hbm>>) dst(%dma_wait3A_18 : memref<640x128xf32, #tpu.memory_space<vmem_shared>>)
      tpu.yield
    }) : () -> ()
    "tpu.region"() ({
      %run_scoped3A = tpu.sem_alloc : memref<!tpu.dma_semaphore, #tpu.memory_space<semaphore_mem>>
      %dma_start3A = arith.constant 0 : i32
      %dma_start3A_15 = arith.constant 0 : i32
      %dma_start3A_16 = tpu.memref_slice %arg3[%add3A, %dma_start3A, %dma_start3A_15] : memref<32x125x80xi32, #tpu.memory_space<hbm>> -> memref<1x125x80xi32, #tpu.memory_space<hbm>>
      %dma_start3A_17 = tpu.memref_squeeze %dma_start3A_16 : memref<1x125x80xi32, #tpu.memory_space<hbm>> -> memref<125x80xi32, #tpu.memory_space<hbm>>
      %dma_start3A_18 = arith.constant 0 : i32
      %dma_start3A_19 = arith.constant 0 : i32
      %dma_start3A_20 = tpu.memref_slice %arg3[%add3A, %dma_start3A_18, %dma_start3A_19] : memref<32x125x80xi32, #tpu.memory_space<hbm>> -> memref<1x125x80xi32, #tpu.memory_space<hbm>>
      %dma_start3A_21 = tpu.memref_squeeze %dma_start3A_20 : memref<1x125x80xi32, #tpu.memory_space<hbm>> -> memref<125x80xi32, #tpu.memory_space<hbm>>
      tpu.enqueue_dma source(%dma_start3A_21 : memref<125x80xi32, #tpu.memory_space<hbm>>) target(%arg7 : memref<125x80xi32, #tpu.memory_space<vmem>>) target_semaphore(%run_scoped3A : memref<!tpu.dma_semaphore, #tpu.memory_space<semaphore_mem>>)
      %dma_wait3A = arith.constant 0 : i32
      %dma_wait3A_22 = arith.constant 0 : i32
      %dma_wait3A_23 = tpu.memref_slice %arg3[%add3A, %dma_wait3A, %dma_wait3A_22] : memref<32x125x80xi32, #tpu.memory_space<hbm>> -> memref<1x125x80xi32, #tpu.memory_space<hbm>>
      %dma_wait3A_24 = tpu.memref_squeeze %dma_wait3A_23 : memref<1x125x80xi32, #tpu.memory_space<hbm>> -> memref<125x80xi32, #tpu.memory_space<hbm>>
      %dma_wait3A_25 = arith.constant 0 : i32
      %dma_wait3A_26 = arith.constant 0 : i32
      %dma_wait3A_27 = tpu.memref_slice %arg3[%add3A, %dma_wait3A_25, %dma_wait3A_26] : memref<32x125x80xi32, #tpu.memory_space<hbm>> -> memref<1x125x80xi32, #tpu.memory_space<hbm>>
      %dma_wait3A_28 = tpu.memref_squeeze %dma_wait3A_27 : memref<1x125x80xi32, #tpu.memory_space<hbm>> -> memref<125x80xi32, #tpu.memory_space<hbm>>
      tpu.wait_dma2 semaphore(%run_scoped3A : memref<!tpu.dma_semaphore, #tpu.memory_space<semaphore_mem>>) src(%dma_wait3A_28 : memref<125x80xi32, #tpu.memory_space<hbm>>) dst(%arg7 : memref<125x80xi32, #tpu.memory_space<vmem>>)
      tpu.yield
    }) : () -> ()
    "tpu.region"() ({
      %run_scoped3A = tpu.sem_alloc : memref<!tpu.dma_semaphore, #tpu.memory_space<semaphore_mem>>
      %dma_start3A = arith.constant 0 : i32
      %dma_start3A_15 = arith.constant 0 : i32
      %dma_start3A_16 = tpu.memref_slice %arg4[%add3A, %dma_start3A, %dma_start3A_15] : memref<32x125x80xi32, #tpu.memory_space<hbm>> -> memref<1x125x80xi32, #tpu.memory_space<hbm>>
      %dma_start3A_17 = tpu.memref_squeeze %dma_start3A_16 : memref<1x125x80xi32, #tpu.memory_space<hbm>> -> memref<125x80xi32, #tpu.memory_space<hbm>>
      %dma_start3A_18 = arith.constant 0 : i32
      %dma_start3A_19 = arith.constant 0 : i32
      %dma_start3A_20 = tpu.memref_slice %arg4[%add3A, %dma_start3A_18, %dma_start3A_19] : memref<32x125x80xi32, #tpu.memory_space<hbm>> -> memref<1x125x80xi32, #tpu.memory_space<hbm>>
      %dma_start3A_21 = tpu.memref_squeeze %dma_start3A_20 : memref<1x125x80xi32, #tpu.memory_space<hbm>> -> memref<125x80xi32, #tpu.memory_space<hbm>>
      tpu.enqueue_dma source(%dma_start3A_21 : memref<125x80xi32, #tpu.memory_space<hbm>>) target(%arg8 : memref<125x80xi32, #tpu.memory_space<vmem>>) target_semaphore(%run_scoped3A : memref<!tpu.dma_semaphore, #tpu.memory_space<semaphore_mem>>)
      %dma_wait3A = arith.constant 0 : i32
      %dma_wait3A_22 = arith.constant 0 : i32
      %dma_wait3A_23 = tpu.memref_slice %arg4[%add3A, %dma_wait3A, %dma_wait3A_22] : memref<32x125x80xi32, #tpu.memory_space<hbm>> -> memref<1x125x80xi32, #tpu.memory_space<hbm>>
      %dma_wait3A_24 = tpu.memref_squeeze %dma_wait3A_23 : memref<1x125x80xi32, #tpu.memory_space<hbm>> -> memref<125x80xi32, #tpu.memory_space<hbm>>
      %dma_wait3A_25 = arith.constant 0 : i32
      %dma_wait3A_26 = arith.constant 0 : i32
      %dma_wait3A_27 = tpu.memref_slice %arg4[%add3A, %dma_wait3A_25, %dma_wait3A_26] : memref<32x125x80xi32, #tpu.memory_space<hbm>> -> memref<1x125x80xi32, #tpu.memory_space<hbm>>
      %dma_wait3A_28 = tpu.memref_squeeze %dma_wait3A_27 : memref<1x125x80xi32, #tpu.memory_space<hbm>> -> memref<125x80xi32, #tpu.memory_space<hbm>>
      tpu.wait_dma2 semaphore(%run_scoped3A : memref<!tpu.dma_semaphore, #tpu.memory_space<semaphore_mem>>) src(%dma_wait3A_28 : memref<125x80xi32, #tpu.memory_space<hbm>>) dst(%arg8 : memref<125x80xi32, #tpu.memory_space<vmem>>)
      tpu.yield
    }) : () -> ()
    %barrier3A = arith.constant 0 : index
    tpu.barrier barrier_id(%barrier3A)
    %scan3A = arith.constant 0 : i32
    %scan3A_5 = arith.constant 0 : i32
    %scan3A_6 = arith.constant 125 : i32
    %scan3A_7 = arith.addi %scan3A_5, %scan3A_6 : i32
    %scan3A_8 = arith.constant 1 : i32
    scf.for %scan3A_15 = %scan3A_5 to %scan3A_7 step %scan3A_8  : i32 {
      %dma_start3A = arith.constant 0 : i32
      %dma_start3A_16 = tpu.memref_slice %arg7[%scan3A_15, %dma_start3A] : memref<125x80xi32, #tpu.memory_space<vmem>> -> memref<1x80xi32, #tpu.memory_space<vmem>>
      %dma_start3A_17 = tpu.memref_squeeze %dma_start3A_16 : memref<1x80xi32, #tpu.memory_space<vmem>> -> memref<80xi32, #tpu.memory_space<vmem>>
      %dma_start3A_18 = arith.constant 0 : i32
      %dma_start3A_19 = arith.constant 0 : i32
      %dma_start3A_20 = tpu.memref_slice %arg2[%dma_start3A_18, %dma_start3A_19] : memref<10000x128xf32, #tpu.memory_space<hbm>> -> memref<10000x128xf32, #tpu.memory_space<hbm>>
      tpu.enqueue_indirect_dma source(%dma_start3A_20 : memref<10000x128xf32, #tpu.memory_space<hbm>>) target(%arg9 : memref<80x128xf32, #tpu.memory_space<vmem>>) offsets(%dma_start3A_17 : memref<80xi32, #tpu.memory_space<vmem>>) semaphore(%arg11 : memref<!tpu.dma_semaphore, #tpu.memory_space<semaphore_mem>>)
      %dma_wait3A = arith.constant 0 : i32
      %dma_wait3A_21 = tpu.memref_slice %arg7[%scan3A_15, %dma_wait3A] : memref<125x80xi32, #tpu.memory_space<vmem>> -> memref<1x80xi32, #tpu.memory_space<vmem>>
      %dma_wait3A_22 = tpu.memref_squeeze %dma_wait3A_21 : memref<1x80xi32, #tpu.memory_space<vmem>> -> memref<80xi32, #tpu.memory_space<vmem>>
      %dma_wait3A_23 = arith.constant 0 : i32
      %dma_wait3A_24 = arith.constant 0 : i32
      %dma_wait3A_25 = tpu.memref_slice %arg2[%dma_wait3A_23, %dma_wait3A_24] : memref<10000x128xf32, #tpu.memory_space<hbm>> -> memref<10000x128xf32, #tpu.memory_space<hbm>>
      tpu.wait_indirect_dma semaphore(%arg11 : memref<!tpu.dma_semaphore, #tpu.memory_space<semaphore_mem>>) src(%dma_wait3A_25 : memref<10000x128xf32, #tpu.memory_space<hbm>>) dst(%arg9 : memref<80x128xf32, #tpu.memory_space<vmem>>)
      "tpu.region"() ({
        %run_scoped3A = tpu.sem_alloc : memref<!tpu.dma_semaphore, #tpu.memory_space<semaphore_mem>>
        %dma_start3A_26 = arith.constant 0 : i32
        %dma_start3A_27 = tpu.memref_slice %arg8[%scan3A_15, %dma_start3A_26] : memref<125x80xi32, #tpu.memory_space<vmem>> -> memref<1x80xi32, #tpu.memory_space<vmem>>
        %dma_start3A_28 = tpu.memref_squeeze %dma_start3A_27 : memref<1x80xi32, #tpu.memory_space<vmem>> -> memref<80xi32, #tpu.memory_space<vmem>>
        %dma_start3A_29 = arith.constant 0 : i32
        %dma_start3A_30 = arith.constant 0 : i32
        %dma_start3A_31 = tpu.memref_slice %arg10[%dma_start3A_29, %dma_start3A_30] : memref<10240x128xf32, #tpu.memory_space<vmem_shared>> -> memref<10240x128xf32, #tpu.memory_space<vmem_shared>>
        tpu.enqueue_indirect_dma source(%arg9 : memref<80x128xf32, #tpu.memory_space<vmem>>) target(%dma_start3A_31 : memref<10240x128xf32, #tpu.memory_space<vmem_shared>>) offsets(%dma_start3A_28 : memref<80xi32, #tpu.memory_space<vmem>>) semaphore(%run_scoped3A : memref<!tpu.dma_semaphore, #tpu.memory_space<semaphore_mem>>) {add = true}
        %dma_wait3A_32 = arith.constant 0 : i32
        %dma_wait3A_33 = tpu.memref_slice %arg8[%scan3A_15, %dma_wait3A_32] : memref<125x80xi32, #tpu.memory_space<vmem>> -> memref<1x80xi32, #tpu.memory_space<vmem>>
        %dma_wait3A_34 = tpu.memref_squeeze %dma_wait3A_33 : memref<1x80xi32, #tpu.memory_space<vmem>> -> memref<80xi32, #tpu.memory_space<vmem>>
        %dma_wait3A_35 = arith.constant 0 : i32
        %dma_wait3A_36 = arith.constant 0 : i32
        %dma_wait3A_37 = tpu.memref_slice %arg10[%dma_wait3A_35, %dma_wait3A_36] : memref<10240x128xf32, #tpu.memory_space<vmem_shared>> -> memref<10240x128xf32, #tpu.memory_space<vmem_shared>>
        tpu.wait_indirect_dma semaphore(%run_scoped3A : memref<!tpu.dma_semaphore, #tpu.memory_space<semaphore_mem>>) src(%arg9 : memref<80x128xf32, #tpu.memory_space<vmem>>) dst(%dma_wait3A_37 : memref<10240x128xf32, #tpu.memory_space<vmem_shared>>)
        tpu.yield
      }) : () -> ()
    }
    %scan3A_9 = arith.constant 125 : i32
    %barrier3A_10 = arith.constant 0 : index
    tpu.barrier barrier_id(%barrier3A_10)
    %mul3A_11 = arith.constant 640 : i32
    %mul3A_12 = arith.muli %arg1, %mul3A_11 : i32
    %mul3A_13 = arith.constant 640 : i32
    %mul3A_14 = arith.muli %arg1, %mul3A_13 : i32
    "tpu.region"() ({
      %run_scoped3A = tpu.sem_alloc : memref<!tpu.dma_semaphore, #tpu.memory_space<semaphore_mem>>
      %dma_start3A = arith.constant 0 : i32
      %dma_start3A_15 = tpu.memref_slice %arg6[%arg0, %mul3A_14, %dma_start3A] : memref<2x10240x128xf32, #tpu.memory_space<hbm>> -> memref<1x640x128xf32, #tpu.memory_space<hbm>>
      %dma_start3A_16 = tpu.memref_squeeze %dma_start3A_15 : memref<1x640x128xf32, #tpu.memory_space<hbm>> -> memref<640x128xf32, #tpu.memory_space<hbm>>
      %dma_start3A_17 = arith.constant 0 : i32
      %dma_start3A_18 = tpu.memref_slice %arg10[%mul3A_12, %dma_start3A_17] : memref<10240x128xf32, #tpu.memory_space<vmem_shared>> -> memref<640x128xf32, #tpu.memory_space<vmem_shared>>
      tpu.enqueue_dma source(%dma_start3A_18 : memref<640x128xf32, #tpu.memory_space<vmem_shared>>) target(%dma_start3A_16 : memref<640x128xf32, #tpu.memory_space<hbm>>) target_semaphore(%run_scoped3A : memref<!tpu.dma_semaphore, #tpu.memory_space<semaphore_mem>>)
      %dma_wait3A = arith.constant 0 : i32
      %dma_wait3A_19 = tpu.memref_slice %arg6[%arg0, %mul3A_14, %dma_wait3A] : memref<2x10240x128xf32, #tpu.memory_space<hbm>> -> memref<1x640x128xf32, #tpu.memory_space<hbm>>
      %dma_wait3A_20 = tpu.memref_squeeze %dma_wait3A_19 : memref<1x640x128xf32, #tpu.memory_space<hbm>> -> memref<640x128xf32, #tpu.memory_space<hbm>>
      %dma_wait3A_21 = arith.constant 0 : i32
      %dma_wait3A_22 = tpu.memref_slice %arg10[%mul3A_12, %dma_wait3A_21] : memref<10240x128xf32, #tpu.memory_space<vmem_shared>> -> memref<640x128xf32, #tpu.memory_space<vmem_shared>>
      tpu.wait_dma2 semaphore(%run_scoped3A : memref<!tpu.dma_semaphore, #tpu.memory_space<semaphore_mem>>) src(%dma_wait3A_22 : memref<640x128xf32, #tpu.memory_space<vmem_shared>>) dst(%dma_wait3A_20 : memref<640x128xf32, #tpu.memory_space<hbm>>)
      tpu.yield
    }) : () -> ()
    return
  }
}

#map = affine_map<(d0, d1) -> (0, 0)>
#map1 = affine_map<(d0, d1) -> (0, 0, 0)>
module attributes {stable_mosaic.version = 14 : i64} {
  func.func @_sc_body(%arg0: i32, %arg1: i32, %arg2: memref<10000x128xf32, #tpu.memory_space<hbm>>, %arg3: memref<32x125x80xi32, #tpu.memory_space<hbm>>, %arg4: memref<32x125x80xi32, #tpu.memory_space<hbm>>, %arg5: memref<10240x128xf32, #tpu.memory_space<hbm>>, %arg6: memref<2x10240x128xf32, #tpu.memory_space<hbm>>, %arg7: memref<125x80xi32, #tpu.memory_space<vmem>>, %arg8: memref<125x80xi32, #tpu.memory_space<vmem>>, %arg9: memref<80x128xf32, #tpu.memory_space<vmem>>, %arg10: memref<10240x128xf32, #tpu.memory_space<vmem_shared>>, %arg11: memref<!tpu.dma_semaphore, #tpu.memory_space<semaphore_mem>>) attributes {dimension_semantics = [#tpu.dimension_semantics<core_parallel>, #tpu.dimension_semantics<subcore_parallel>], iteration_bounds = array<i64: 2, 16>, scalar_prefetch = 0 : i64, scratch_operands = 5 : i64, tpu.core_type = #tpu.core_type<sc_vector_subcore>, window_params = [{transform_indices = #map}, {transform_indices = #map1}, {transform_indices = #map1}, {transform_indices = #map}, {transform_indices = #map1}]} {
    %mul3A = arith.constant 16 : i32
    %mul3A_0 = arith.muli %arg0, %mul3A : i32
    %add3A = arith.addi %mul3A_0, %arg1 : i32
    %mul3A_1 = arith.constant 640 : i32
    %mul3A_2 = arith.muli %arg1, %mul3A_1 : i32
    %mul3A_3 = arith.constant 640 : i32
    %mul3A_4 = arith.muli %arg1, %mul3A_3 : i32
    "tpu.region"() ({
      %run_scoped3A = tpu.sem_alloc : memref<!tpu.dma_semaphore, #tpu.memory_space<semaphore_mem>>
      %dma_start3A = arith.constant 0 : i32
      %dma_start3A_15 = tpu.memref_slice %arg10[%mul3A_4, %dma_start3A] : memref<10240x128xf32, #tpu.memory_space<vmem_shared>> -> memref<640x128xf32, #tpu.memory_space<vmem_shared>>
      %dma_start3A_16 = arith.constant 0 : i32
      %dma_start3A_17 = tpu.memref_slice %arg5[%mul3A_2, %dma_start3A_16] : memref<10240x128xf32, #tpu.memory_space<hbm>> -> memref<640x128xf32, #tpu.memory_space<hbm>>
      tpu.enqueue_dma source(%dma_start3A_17 : memref<640x128xf32, #tpu.memory_space<hbm>>) target(%dma_start3A_15 : memref<640x128xf32, #tpu.memory_space<vmem_shared>>) target_semaphore(%run_scoped3A : memref<!tpu.dma_semaphore, #tpu.memory_space<semaphore_mem>>)
      %dma_wait3A = arith.constant 0 : i32
      %dma_wait3A_18 = tpu.memref_slice %arg10[%mul3A_4, %dma_wait3A] : memref<10240x128xf32, #tpu.memory_space<vmem_shared>> -> memref<640x128xf32, #tpu.memory_space<vmem_shared>>
      %dma_wait3A_19 = arith.constant 0 : i32
      %dma_wait3A_20 = tpu.memref_slice %arg5[%mul3A_2, %dma_wait3A_19] : memref<10240x128xf32, #tpu.memory_space<hbm>> -> memref<640x128xf32, #tpu.memory_space<hbm>>
      tpu.wait_dma2 semaphore(%run_scoped3A : memref<!tpu.dma_semaphore, #tpu.memory_space<semaphore_mem>>) src(%dma_wait3A_20 : memref<640x128xf32, #tpu.memory_space<hbm>>) dst(%dma_wait3A_18 : memref<640x128xf32, #tpu.memory_space<vmem_shared>>)
      tpu.yield
    }) : () -> ()
    "tpu.region"() ({
      %run_scoped3A = tpu.sem_alloc : memref<!tpu.dma_semaphore, #tpu.memory_space<semaphore_mem>>
      %dma_start3A = arith.constant 0 : i32
      %dma_start3A_15 = arith.constant 0 : i32
      %dma_start3A_16 = tpu.memref_slice %arg3[%add3A, %dma_start3A, %dma_start3A_15] : memref<32x125x80xi32, #tpu.memory_space<hbm>> -> memref<1x125x80xi32, #tpu.memory_space<hbm>>
      %dma_start3A_17 = tpu.memref_squeeze %dma_start3A_16 : memref<1x125x80xi32, #tpu.memory_space<hbm>> -> memref<125x80xi32, #tpu.memory_space<hbm>>
      %dma_start3A_18 = arith.constant 0 : i32
      %dma_start3A_19 = arith.constant 0 : i32
      %dma_start3A_20 = tpu.memref_slice %arg3[%add3A, %dma_start3A_18, %dma_start3A_19] : memref<32x125x80xi32, #tpu.memory_space<hbm>> -> memref<1x125x80xi32, #tpu.memory_space<hbm>>
      %dma_start3A_21 = tpu.memref_squeeze %dma_start3A_20 : memref<1x125x80xi32, #tpu.memory_space<hbm>> -> memref<125x80xi32, #tpu.memory_space<hbm>>
      tpu.enqueue_dma source(%dma_start3A_21 : memref<125x80xi32, #tpu.memory_space<hbm>>) target(%arg7 : memref<125x80xi32, #tpu.memory_space<vmem>>) target_semaphore(%run_scoped3A : memref<!tpu.dma_semaphore, #tpu.memory_space<semaphore_mem>>)
      %dma_wait3A = arith.constant 0 : i32
      %dma_wait3A_22 = arith.constant 0 : i32
      %dma_wait3A_23 = tpu.memref_slice %arg3[%add3A, %dma_wait3A, %dma_wait3A_22] : memref<32x125x80xi32, #tpu.memory_space<hbm>> -> memref<1x125x80xi32, #tpu.memory_space<hbm>>
      %dma_wait3A_24 = tpu.memref_squeeze %dma_wait3A_23 : memref<1x125x80xi32, #tpu.memory_space<hbm>> -> memref<125x80xi32, #tpu.memory_space<hbm>>
      %dma_wait3A_25 = arith.constant 0 : i32
      %dma_wait3A_26 = arith.constant 0 : i32
      %dma_wait3A_27 = tpu.memref_slice %arg3[%add3A, %dma_wait3A_25, %dma_wait3A_26] : memref<32x125x80xi32, #tpu.memory_space<hbm>> -> memref<1x125x80xi32, #tpu.memory_space<hbm>>
      %dma_wait3A_28 = tpu.memref_squeeze %dma_wait3A_27 : memref<1x125x80xi32, #tpu.memory_space<hbm>> -> memref<125x80xi32, #tpu.memory_space<hbm>>
      tpu.wait_dma2 semaphore(%run_scoped3A : memref<!tpu.dma_semaphore, #tpu.memory_space<semaphore_mem>>) src(%dma_wait3A_28 : memref<125x80xi32, #tpu.memory_space<hbm>>) dst(%arg7 : memref<125x80xi32, #tpu.memory_space<vmem>>)
      tpu.yield
    }) : () -> ()
    "tpu.region"() ({
      %run_scoped3A = tpu.sem_alloc : memref<!tpu.dma_semaphore, #tpu.memory_space<semaphore_mem>>
      %dma_start3A = arith.constant 0 : i32
      %dma_start3A_15 = arith.constant 0 : i32
      %dma_start3A_16 = tpu.memref_slice %arg4[%add3A, %dma_start3A, %dma_start3A_15] : memref<32x125x80xi32, #tpu.memory_space<hbm>> -> memref<1x125x80xi32, #tpu.memory_space<hbm>>
      %dma_start3A_17 = tpu.memref_squeeze %dma_start3A_16 : memref<1x125x80xi32, #tpu.memory_space<hbm>> -> memref<125x80xi32, #tpu.memory_space<hbm>>
      %dma_start3A_18 = arith.constant 0 : i32
      %dma_start3A_19 = arith.constant 0 : i32
      %dma_start3A_20 = tpu.memref_slice %arg4[%add3A, %dma_start3A_18, %dma_start3A_19] : memref<32x125x80xi32, #tpu.memory_space<hbm>> -> memref<1x125x80xi32, #tpu.memory_space<hbm>>
      %dma_start3A_21 = tpu.memref_squeeze %dma_start3A_20 : memref<1x125x80xi32, #tpu.memory_space<hbm>> -> memref<125x80xi32, #tpu.memory_space<hbm>>
      tpu.enqueue_dma source(%dma_start3A_21 : memref<125x80xi32, #tpu.memory_space<hbm>>) target(%arg8 : memref<125x80xi32, #tpu.memory_space<vmem>>) target_semaphore(%run_scoped3A : memref<!tpu.dma_semaphore, #tpu.memory_space<semaphore_mem>>)
      %dma_wait3A = arith.constant 0 : i32
      %dma_wait3A_22 = arith.constant 0 : i32
      %dma_wait3A_23 = tpu.memref_slice %arg4[%add3A, %dma_wait3A, %dma_wait3A_22] : memref<32x125x80xi32, #tpu.memory_space<hbm>> -> memref<1x125x80xi32, #tpu.memory_space<hbm>>
      %dma_wait3A_24 = tpu.memref_squeeze %dma_wait3A_23 : memref<1x125x80xi32, #tpu.memory_space<hbm>> -> memref<125x80xi32, #tpu.memory_space<hbm>>
      %dma_wait3A_25 = arith.constant 0 : i32
      %dma_wait3A_26 = arith.constant 0 : i32
      %dma_wait3A_27 = tpu.memref_slice %arg4[%add3A, %dma_wait3A_25, %dma_wait3A_26] : memref<32x125x80xi32, #tpu.memory_space<hbm>> -> memref<1x125x80xi32, #tpu.memory_space<hbm>>
      %dma_wait3A_28 = tpu.memref_squeeze %dma_wait3A_27 : memref<1x125x80xi32, #tpu.memory_space<hbm>> -> memref<125x80xi32, #tpu.memory_space<hbm>>
      tpu.wait_dma2 semaphore(%run_scoped3A : memref<!tpu.dma_semaphore, #tpu.memory_space<semaphore_mem>>) src(%dma_wait3A_28 : memref<125x80xi32, #tpu.memory_space<hbm>>) dst(%arg8 : memref<125x80xi32, #tpu.memory_space<vmem>>)
      tpu.yield
    }) : () -> ()
    %barrier3A = arith.constant 0 : index
    tpu.barrier barrier_id(%barrier3A)
    %scan3A = arith.constant 0 : i32
    %scan3A_5 = arith.constant 0 : i32
    %scan3A_6 = arith.constant 125 : i32
    %scan3A_7 = arith.addi %scan3A_5, %scan3A_6 : i32
    %scan3A_8 = arith.constant 1 : i32
    scf.for %scan3A_15 = %scan3A_5 to %scan3A_7 step %scan3A_8  : i32 {
      %dma_start3A = arith.constant 0 : i32
      %dma_start3A_16 = tpu.memref_slice %arg7[%scan3A_15, %dma_start3A] : memref<125x80xi32, #tpu.memory_space<vmem>> -> memref<1x80xi32, #tpu.memory_space<vmem>>
      %dma_start3A_17 = tpu.memref_squeeze %dma_start3A_16 : memref<1x80xi32, #tpu.memory_space<vmem>> -> memref<80xi32, #tpu.memory_space<vmem>>
      %dma_start3A_18 = arith.constant 0 : i32
      %dma_start3A_19 = arith.constant 0 : i32
      %dma_start3A_20 = tpu.memref_slice %arg2[%dma_start3A_18, %dma_start3A_19] : memref<10000x128xf32, #tpu.memory_space<hbm>> -> memref<10000x128xf32, #tpu.memory_space<hbm>>
      tpu.enqueue_indirect_dma source(%dma_start3A_20 : memref<10000x128xf32, #tpu.memory_space<hbm>>) target(%arg9 : memref<80x128xf32, #tpu.memory_space<vmem>>) offsets(%dma_start3A_17 : memref<80xi32, #tpu.memory_space<vmem>>) semaphore(%arg11 : memref<!tpu.dma_semaphore, #tpu.memory_space<semaphore_mem>>)
      %dma_wait3A = arith.constant 0 : i32
      %dma_wait3A_21 = tpu.memref_slice %arg7[%scan3A_15, %dma_wait3A] : memref<125x80xi32, #tpu.memory_space<vmem>> -> memref<1x80xi32, #tpu.memory_space<vmem>>
      %dma_wait3A_22 = tpu.memref_squeeze %dma_wait3A_21 : memref<1x80xi32, #tpu.memory_space<vmem>> -> memref<80xi32, #tpu.memory_space<vmem>>
      %dma_wait3A_23 = arith.constant 0 : i32
      %dma_wait3A_24 = arith.constant 0 : i32
      %dma_wait3A_25 = tpu.memref_slice %arg2[%dma_wait3A_23, %dma_wait3A_24] : memref<10000x128xf32, #tpu.memory_space<hbm>> -> memref<10000x128xf32, #tpu.memory_space<hbm>>
      tpu.wait_indirect_dma semaphore(%arg11 : memref<!tpu.dma_semaphore, #tpu.memory_space<semaphore_mem>>) src(%dma_wait3A_25 : memref<10000x128xf32, #tpu.memory_space<hbm>>) dst(%arg9 : memref<80x128xf32, #tpu.memory_space<vmem>>)
      "tpu.region"() ({
        %run_scoped3A = tpu.sem_alloc : memref<!tpu.dma_semaphore, #tpu.memory_space<semaphore_mem>>
        %dma_start3A_26 = arith.constant 0 : i32
        %dma_start3A_27 = tpu.memref_slice %arg8[%scan3A_15, %dma_start3A_26] : memref<125x80xi32, #tpu.memory_space<vmem>> -> memref<1x80xi32, #tpu.memory_space<vmem>>
        %dma_start3A_28 = tpu.memref_squeeze %dma_start3A_27 : memref<1x80xi32, #tpu.memory_space<vmem>> -> memref<80xi32, #tpu.memory_space<vmem>>
        %dma_start3A_29 = arith.constant 0 : i32
        %dma_start3A_30 = arith.constant 0 : i32
        %dma_start3A_31 = tpu.memref_slice %arg10[%dma_start3A_29, %dma_start3A_30] : memref<10240x128xf32, #tpu.memory_space<vmem_shared>> -> memref<10240x128xf32, #tpu.memory_space<vmem_shared>>
        tpu.enqueue_indirect_dma source(%arg9 : memref<80x128xf32, #tpu.memory_space<vmem>>) target(%dma_start3A_31 : memref<10240x128xf32, #tpu.memory_space<vmem_shared>>) offsets(%dma_start3A_28 : memref<80xi32, #tpu.memory_space<vmem>>) semaphore(%run_scoped3A : memref<!tpu.dma_semaphore, #tpu.memory_space<semaphore_mem>>) {add = true}
        %dma_wait3A_32 = arith.constant 0 : i32
        %dma_wait3A_33 = tpu.memref_slice %arg8[%scan3A_15, %dma_wait3A_32] : memref<125x80xi32, #tpu.memory_space<vmem>> -> memref<1x80xi32, #tpu.memory_space<vmem>>
        %dma_wait3A_34 = tpu.memref_squeeze %dma_wait3A_33 : memref<1x80xi32, #tpu.memory_space<vmem>> -> memref<80xi32, #tpu.memory_space<vmem>>
        %dma_wait3A_35 = arith.constant 0 : i32
        %dma_wait3A_36 = arith.constant 0 : i32
        %dma_wait3A_37 = tpu.memref_slice %arg10[%dma_wait3A_35, %dma_wait3A_36] : memref<10240x128xf32, #tpu.memory_space<vmem_shared>> -> memref<10240x128xf32, #tpu.memory_space<vmem_shared>>
        tpu.wait_indirect_dma semaphore(%run_scoped3A : memref<!tpu.dma_semaphore, #tpu.memory_space<semaphore_mem>>) src(%arg9 : memref<80x128xf32, #tpu.memory_space<vmem>>) dst(%dma_wait3A_37 : memref<10240x128xf32, #tpu.memory_space<vmem_shared>>)
        tpu.yield
      }) : () -> ()
    }
    %scan3A_9 = arith.constant 125 : i32
    %barrier3A_10 = arith.constant 0 : index
    tpu.barrier barrier_id(%barrier3A_10)
    %mul3A_11 = arith.constant 640 : i32
    %mul3A_12 = arith.muli %arg1, %mul3A_11 : i32
    %mul3A_13 = arith.constant 640 : i32
    %mul3A_14 = arith.muli %arg1, %mul3A_13 : i32
    "tpu.region"() ({
      %run_scoped3A = tpu.sem_alloc : memref<!tpu.dma_semaphore, #tpu.memory_space<semaphore_mem>>
      %dma_start3A = arith.constant 0 : i32
      %dma_start3A_15 = tpu.memref_slice %arg6[%arg0, %mul3A_14, %dma_start3A] : memref<2x10240x128xf32, #tpu.memory_space<hbm>> -> memref<1x640x128xf32, #tpu.memory_space<hbm>>
      %dma_start3A_16 = tpu.memref_squeeze %dma_start3A_15 : memref<1x640x128xf32, #tpu.memory_space<hbm>> -> memref<640x128xf32, #tpu.memory_space<hbm>>
      %dma_start3A_17 = arith.constant 0 : i32
      %dma_start3A_18 = tpu.memref_slice %arg10[%mul3A_12, %dma_start3A_17] : memref<10240x128xf32, #tpu.memory_space<vmem_shared>> -> memref<640x128xf32, #tpu.memory_space<vmem_shared>>
      tpu.enqueue_dma source(%dma_start3A_18 : memref<640x128xf32, #tpu.memory_space<vmem_shared>>) target(%dma_start3A_16 : memref<640x128xf32, #tpu.memory_space<hbm>>) target_semaphore(%run_scoped3A : memref<!tpu.dma_semaphore, #tpu.memory_space<semaphore_mem>>)
      %dma_wait3A = arith.constant 0 : i32
      %dma_wait3A_19 = tpu.memref_slice %arg6[%arg0, %mul3A_14, %dma_wait3A] : memref<2x10240x128xf32, #tpu.memory_space<hbm>> -> memref<1x640x128xf32, #tpu.memory_space<hbm>>
      %dma_wait3A_20 = tpu.memref_squeeze %dma_wait3A_19 : memref<1x640x128xf32, #tpu.memory_space<hbm>> -> memref<640x128xf32, #tpu.memory_space<hbm>>
      %dma_wait3A_21 = arith.constant 0 : i32
      %dma_wait3A_22 = tpu.memref_slice %arg10[%mul3A_12, %dma_wait3A_21] : memref<10240x128xf32, #tpu.memory_space<vmem_shared>> -> memref<640x128xf32, #tpu.memory_space<vmem_shared>>
      tpu.wait_dma2 semaphore(%run_scoped3A : memref<!tpu.dma_semaphore, #tpu.memory_space<semaphore_mem>>) src(%dma_wait3A_22 : memref<640x128xf32, #tpu.memory_space<vmem_shared>>) dst(%dma_wait3A_20 : memref<640x128xf32, #tpu.memory_space<hbm>>)
      tpu.yield
    }) : () -> ()
    return
  }
}

#map = affine_map<(d0, d1) -> (0, 0)>
#map1 = affine_map<(d0, d1) -> (0, 0, 0)>
module attributes {stable_mosaic.version = 14 : i64} {
  func.func @_sc_body(%arg0: i32, %arg1: i32, %arg2: memref<10000x128xf32, #tpu.memory_space<hbm>>, %arg3: memref<32x125x80xi32, #tpu.memory_space<hbm>>, %arg4: memref<32x125x80xi32, #tpu.memory_space<hbm>>, %arg5: memref<10240x128xf32, #tpu.memory_space<hbm>>, %arg6: memref<2x10240x128xf32, #tpu.memory_space<hbm>>, %arg7: memref<125x80xi32, #tpu.memory_space<vmem>>, %arg8: memref<125x80xi32, #tpu.memory_space<vmem>>, %arg9: memref<80x128xf32, #tpu.memory_space<vmem>>, %arg10: memref<10240x128xf32, #tpu.memory_space<vmem_shared>>, %arg11: memref<!tpu.dma_semaphore, #tpu.memory_space<semaphore_mem>>) attributes {dimension_semantics = [#tpu.dimension_semantics<core_parallel>, #tpu.dimension_semantics<subcore_parallel>], iteration_bounds = array<i64: 2, 16>, scalar_prefetch = 0 : i64, scratch_operands = 5 : i64, tpu.core_type = #tpu.core_type<sc_vector_subcore>, window_params = [{transform_indices = #map}, {transform_indices = #map1}, {transform_indices = #map1}, {transform_indices = #map}, {transform_indices = #map1}]} {
    %mul3A = arith.constant 16 : i32
    %mul3A_0 = arith.muli %arg0, %mul3A : i32
    %add3A = arith.addi %mul3A_0, %arg1 : i32
    %mul3A_1 = arith.constant 640 : i32
    %mul3A_2 = arith.muli %arg1, %mul3A_1 : i32
    %mul3A_3 = arith.constant 640 : i32
    %mul3A_4 = arith.muli %arg1, %mul3A_3 : i32
    "tpu.region"() ({
      %run_scoped3A = tpu.sem_alloc : memref<!tpu.dma_semaphore, #tpu.memory_space<semaphore_mem>>
      %dma_start3A = arith.constant 0 : i32
      %dma_start3A_15 = tpu.memref_slice %arg10[%mul3A_4, %dma_start3A] : memref<10240x128xf32, #tpu.memory_space<vmem_shared>> -> memref<640x128xf32, #tpu.memory_space<vmem_shared>>
      %dma_start3A_16 = arith.constant 0 : i32
      %dma_start3A_17 = tpu.memref_slice %arg5[%mul3A_2, %dma_start3A_16] : memref<10240x128xf32, #tpu.memory_space<hbm>> -> memref<640x128xf32, #tpu.memory_space<hbm>>
      tpu.enqueue_dma source(%dma_start3A_17 : memref<640x128xf32, #tpu.memory_space<hbm>>) target(%dma_start3A_15 : memref<640x128xf32, #tpu.memory_space<vmem_shared>>) target_semaphore(%run_scoped3A : memref<!tpu.dma_semaphore, #tpu.memory_space<semaphore_mem>>)
      %dma_wait3A = arith.constant 0 : i32
      %dma_wait3A_18 = tpu.memref_slice %arg10[%mul3A_4, %dma_wait3A] : memref<10240x128xf32, #tpu.memory_space<vmem_shared>> -> memref<640x128xf32, #tpu.memory_space<vmem_shared>>
      %dma_wait3A_19 = arith.constant 0 : i32
      %dma_wait3A_20 = tpu.memref_slice %arg5[%mul3A_2, %dma_wait3A_19] : memref<10240x128xf32, #tpu.memory_space<hbm>> -> memref<640x128xf32, #tpu.memory_space<hbm>>
      tpu.wait_dma2 semaphore(%run_scoped3A : memref<!tpu.dma_semaphore, #tpu.memory_space<semaphore_mem>>) src(%dma_wait3A_20 : memref<640x128xf32, #tpu.memory_space<hbm>>) dst(%dma_wait3A_18 : memref<640x128xf32, #tpu.memory_space<vmem_shared>>)
      tpu.yield
    }) : () -> ()
    "tpu.region"() ({
      %run_scoped3A = tpu.sem_alloc : memref<!tpu.dma_semaphore, #tpu.memory_space<semaphore_mem>>
      %dma_start3A = arith.constant 0 : i32
      %dma_start3A_15 = arith.constant 0 : i32
      %dma_start3A_16 = tpu.memref_slice %arg3[%add3A, %dma_start3A, %dma_start3A_15] : memref<32x125x80xi32, #tpu.memory_space<hbm>> -> memref<1x125x80xi32, #tpu.memory_space<hbm>>
      %dma_start3A_17 = tpu.memref_squeeze %dma_start3A_16 : memref<1x125x80xi32, #tpu.memory_space<hbm>> -> memref<125x80xi32, #tpu.memory_space<hbm>>
      %dma_start3A_18 = arith.constant 0 : i32
      %dma_start3A_19 = arith.constant 0 : i32
      %dma_start3A_20 = tpu.memref_slice %arg3[%add3A, %dma_start3A_18, %dma_start3A_19] : memref<32x125x80xi32, #tpu.memory_space<hbm>> -> memref<1x125x80xi32, #tpu.memory_space<hbm>>
      %dma_start3A_21 = tpu.memref_squeeze %dma_start3A_20 : memref<1x125x80xi32, #tpu.memory_space<hbm>> -> memref<125x80xi32, #tpu.memory_space<hbm>>
      tpu.enqueue_dma source(%dma_start3A_21 : memref<125x80xi32, #tpu.memory_space<hbm>>) target(%arg7 : memref<125x80xi32, #tpu.memory_space<vmem>>) target_semaphore(%run_scoped3A : memref<!tpu.dma_semaphore, #tpu.memory_space<semaphore_mem>>)
      %dma_wait3A = arith.constant 0 : i32
      %dma_wait3A_22 = arith.constant 0 : i32
      %dma_wait3A_23 = tpu.memref_slice %arg3[%add3A, %dma_wait3A, %dma_wait3A_22] : memref<32x125x80xi32, #tpu.memory_space<hbm>> -> memref<1x125x80xi32, #tpu.memory_space<hbm>>
      %dma_wait3A_24 = tpu.memref_squeeze %dma_wait3A_23 : memref<1x125x80xi32, #tpu.memory_space<hbm>> -> memref<125x80xi32, #tpu.memory_space<hbm>>
      %dma_wait3A_25 = arith.constant 0 : i32
      %dma_wait3A_26 = arith.constant 0 : i32
      %dma_wait3A_27 = tpu.memref_slice %arg3[%add3A, %dma_wait3A_25, %dma_wait3A_26] : memref<32x125x80xi32, #tpu.memory_space<hbm>> -> memref<1x125x80xi32, #tpu.memory_space<hbm>>
      %dma_wait3A_28 = tpu.memref_squeeze %dma_wait3A_27 : memref<1x125x80xi32, #tpu.memory_space<hbm>> -> memref<125x80xi32, #tpu.memory_space<hbm>>
      tpu.wait_dma2 semaphore(%run_scoped3A : memref<!tpu.dma_semaphore, #tpu.memory_space<semaphore_mem>>) src(%dma_wait3A_28 : memref<125x80xi32, #tpu.memory_space<hbm>>) dst(%arg7 : memref<125x80xi32, #tpu.memory_space<vmem>>)
      tpu.yield
    }) : () -> ()
    "tpu.region"() ({
      %run_scoped3A = tpu.sem_alloc : memref<!tpu.dma_semaphore, #tpu.memory_space<semaphore_mem>>
      %dma_start3A = arith.constant 0 : i32
      %dma_start3A_15 = arith.constant 0 : i32
      %dma_start3A_16 = tpu.memref_slice %arg4[%add3A, %dma_start3A, %dma_start3A_15] : memref<32x125x80xi32, #tpu.memory_space<hbm>> -> memref<1x125x80xi32, #tpu.memory_space<hbm>>
      %dma_start3A_17 = tpu.memref_squeeze %dma_start3A_16 : memref<1x125x80xi32, #tpu.memory_space<hbm>> -> memref<125x80xi32, #tpu.memory_space<hbm>>
      %dma_start3A_18 = arith.constant 0 : i32
      %dma_start3A_19 = arith.constant 0 : i32
      %dma_start3A_20 = tpu.memref_slice %arg4[%add3A, %dma_start3A_18, %dma_start3A_19] : memref<32x125x80xi32, #tpu.memory_space<hbm>> -> memref<1x125x80xi32, #tpu.memory_space<hbm>>
      %dma_start3A_21 = tpu.memref_squeeze %dma_start3A_20 : memref<1x125x80xi32, #tpu.memory_space<hbm>> -> memref<125x80xi32, #tpu.memory_space<hbm>>
      tpu.enqueue_dma source(%dma_start3A_21 : memref<125x80xi32, #tpu.memory_space<hbm>>) target(%arg8 : memref<125x80xi32, #tpu.memory_space<vmem>>) target_semaphore(%run_scoped3A : memref<!tpu.dma_semaphore, #tpu.memory_space<semaphore_mem>>)
      %dma_wait3A = arith.constant 0 : i32
      %dma_wait3A_22 = arith.constant 0 : i32
      %dma_wait3A_23 = tpu.memref_slice %arg4[%add3A, %dma_wait3A, %dma_wait3A_22] : memref<32x125x80xi32, #tpu.memory_space<hbm>> -> memref<1x125x80xi32, #tpu.memory_space<hbm>>
      %dma_wait3A_24 = tpu.memref_squeeze %dma_wait3A_23 : memref<1x125x80xi32, #tpu.memory_space<hbm>> -> memref<125x80xi32, #tpu.memory_space<hbm>>
      %dma_wait3A_25 = arith.constant 0 : i32
      %dma_wait3A_26 = arith.constant 0 : i32
      %dma_wait3A_27 = tpu.memref_slice %arg4[%add3A, %dma_wait3A_25, %dma_wait3A_26] : memref<32x125x80xi32, #tpu.memory_space<hbm>> -> memref<1x125x80xi32, #tpu.memory_space<hbm>>
      %dma_wait3A_28 = tpu.memref_squeeze %dma_wait3A_27 : memref<1x125x80xi32, #tpu.memory_space<hbm>> -> memref<125x80xi32, #tpu.memory_space<hbm>>
      tpu.wait_dma2 semaphore(%run_scoped3A : memref<!tpu.dma_semaphore, #tpu.memory_space<semaphore_mem>>) src(%dma_wait3A_28 : memref<125x80xi32, #tpu.memory_space<hbm>>) dst(%arg8 : memref<125x80xi32, #tpu.memory_space<vmem>>)
      tpu.yield
    }) : () -> ()
    %barrier3A = arith.constant 0 : index
    tpu.barrier barrier_id(%barrier3A)
    %scan3A = arith.constant 0 : i32
    %scan3A_5 = arith.constant 0 : i32
    %scan3A_6 = arith.constant 125 : i32
    %scan3A_7 = arith.addi %scan3A_5, %scan3A_6 : i32
    %scan3A_8 = arith.constant 1 : i32
    scf.for %scan3A_15 = %scan3A_5 to %scan3A_7 step %scan3A_8  : i32 {
      %dma_start3A = arith.constant 0 : i32
      %dma_start3A_16 = tpu.memref_slice %arg7[%scan3A_15, %dma_start3A] : memref<125x80xi32, #tpu.memory_space<vmem>> -> memref<1x80xi32, #tpu.memory_space<vmem>>
      %dma_start3A_17 = tpu.memref_squeeze %dma_start3A_16 : memref<1x80xi32, #tpu.memory_space<vmem>> -> memref<80xi32, #tpu.memory_space<vmem>>
      %dma_start3A_18 = arith.constant 0 : i32
      %dma_start3A_19 = arith.constant 0 : i32
      %dma_start3A_20 = tpu.memref_slice %arg2[%dma_start3A_18, %dma_start3A_19] : memref<10000x128xf32, #tpu.memory_space<hbm>> -> memref<10000x128xf32, #tpu.memory_space<hbm>>
      tpu.enqueue_indirect_dma source(%dma_start3A_20 : memref<10000x128xf32, #tpu.memory_space<hbm>>) target(%arg9 : memref<80x128xf32, #tpu.memory_space<vmem>>) offsets(%dma_start3A_17 : memref<80xi32, #tpu.memory_space<vmem>>) semaphore(%arg11 : memref<!tpu.dma_semaphore, #tpu.memory_space<semaphore_mem>>)
      %dma_wait3A = arith.constant 0 : i32
      %dma_wait3A_21 = tpu.memref_slice %arg7[%scan3A_15, %dma_wait3A] : memref<125x80xi32, #tpu.memory_space<vmem>> -> memref<1x80xi32, #tpu.memory_space<vmem>>
      %dma_wait3A_22 = tpu.memref_squeeze %dma_wait3A_21 : memref<1x80xi32, #tpu.memory_space<vmem>> -> memref<80xi32, #tpu.memory_space<vmem>>
      %dma_wait3A_23 = arith.constant 0 : i32
      %dma_wait3A_24 = arith.constant 0 : i32
      %dma_wait3A_25 = tpu.memref_slice %arg2[%dma_wait3A_23, %dma_wait3A_24] : memref<10000x128xf32, #tpu.memory_space<hbm>> -> memref<10000x128xf32, #tpu.memory_space<hbm>>
      tpu.wait_indirect_dma semaphore(%arg11 : memref<!tpu.dma_semaphore, #tpu.memory_space<semaphore_mem>>) src(%dma_wait3A_25 : memref<10000x128xf32, #tpu.memory_space<hbm>>) dst(%arg9 : memref<80x128xf32, #tpu.memory_space<vmem>>)
      "tpu.region"() ({
        %run_scoped3A = tpu.sem_alloc : memref<!tpu.dma_semaphore, #tpu.memory_space<semaphore_mem>>
        %dma_start3A_26 = arith.constant 0 : i32
        %dma_start3A_27 = tpu.memref_slice %arg8[%scan3A_15, %dma_start3A_26] : memref<125x80xi32, #tpu.memory_space<vmem>> -> memref<1x80xi32, #tpu.memory_space<vmem>>
        %dma_start3A_28 = tpu.memref_squeeze %dma_start3A_27 : memref<1x80xi32, #tpu.memory_space<vmem>> -> memref<80xi32, #tpu.memory_space<vmem>>
        %dma_start3A_29 = arith.constant 0 : i32
        %dma_start3A_30 = arith.constant 0 : i32
        %dma_start3A_31 = tpu.memref_slice %arg10[%dma_start3A_29, %dma_start3A_30] : memref<10240x128xf32, #tpu.memory_space<vmem_shared>> -> memref<10240x128xf32, #tpu.memory_space<vmem_shared>>
        tpu.enqueue_indirect_dma source(%arg9 : memref<80x128xf32, #tpu.memory_space<vmem>>) target(%dma_start3A_31 : memref<10240x128xf32, #tpu.memory_space<vmem_shared>>) offsets(%dma_start3A_28 : memref<80xi32, #tpu.memory_space<vmem>>) semaphore(%run_scoped3A : memref<!tpu.dma_semaphore, #tpu.memory_space<semaphore_mem>>) {add = true}
        %dma_wait3A_32 = arith.constant 0 : i32
        %dma_wait3A_33 = tpu.memref_slice %arg8[%scan3A_15, %dma_wait3A_32] : memref<125x80xi32, #tpu.memory_space<vmem>> -> memref<1x80xi32, #tpu.memory_space<vmem>>
        %dma_wait3A_34 = tpu.memref_squeeze %dma_wait3A_33 : memref<1x80xi32, #tpu.memory_space<vmem>> -> memref<80xi32, #tpu.memory_space<vmem>>
        %dma_wait3A_35 = arith.constant 0 : i32
        %dma_wait3A_36 = arith.constant 0 : i32
        %dma_wait3A_37 = tpu.memref_slice %arg10[%dma_wait3A_35, %dma_wait3A_36] : memref<10240x128xf32, #tpu.memory_space<vmem_shared>> -> memref<10240x128xf32, #tpu.memory_space<vmem_shared>>
        tpu.wait_indirect_dma semaphore(%run_scoped3A : memref<!tpu.dma_semaphore, #tpu.memory_space<semaphore_mem>>) src(%arg9 : memref<80x128xf32, #tpu.memory_space<vmem>>) dst(%dma_wait3A_37 : memref<10240x128xf32, #tpu.memory_space<vmem_shared>>)
        tpu.yield
      }) : () -> ()
    }
    %scan3A_9 = arith.constant 125 : i32
    %barrier3A_10 = arith.constant 0 : index
    tpu.barrier barrier_id(%barrier3A_10)
    %mul3A_11 = arith.constant 640 : i32
    %mul3A_12 = arith.muli %arg1, %mul3A_11 : i32
    %mul3A_13 = arith.constant 640 : i32
    %mul3A_14 = arith.muli %arg1, %mul3A_13 : i32
    "tpu.region"() ({
      %run_scoped3A = tpu.sem_alloc : memref<!tpu.dma_semaphore, #tpu.memory_space<semaphore_mem>>
      %dma_start3A = arith.constant 0 : i32
      %dma_start3A_15 = tpu.memref_slice %arg6[%arg0, %mul3A_14, %dma_start3A] : memref<2x10240x128xf32, #tpu.memory_space<hbm>> -> memref<1x640x128xf32, #tpu.memory_space<hbm>>
      %dma_start3A_16 = tpu.memref_squeeze %dma_start3A_15 : memref<1x640x128xf32, #tpu.memory_space<hbm>> -> memref<640x128xf32, #tpu.memory_space<hbm>>
      %dma_start3A_17 = arith.constant 0 : i32
      %dma_start3A_18 = tpu.memref_slice %arg10[%mul3A_12, %dma_start3A_17] : memref<10240x128xf32, #tpu.memory_space<vmem_shared>> -> memref<640x128xf32, #tpu.memory_space<vmem_shared>>
      tpu.enqueue_dma source(%dma_start3A_18 : memref<640x128xf32, #tpu.memory_space<vmem_shared>>) target(%dma_start3A_16 : memref<640x128xf32, #tpu.memory_space<hbm>>) target_semaphore(%run_scoped3A : memref<!tpu.dma_semaphore, #tpu.memory_space<semaphore_mem>>)
      %dma_wait3A = arith.constant 0 : i32
      %dma_wait3A_19 = tpu.memref_slice %arg6[%arg0, %mul3A_14, %dma_wait3A] : memref<2x10240x128xf32, #tpu.memory_space<hbm>> -> memref<1x640x128xf32, #tpu.memory_space<hbm>>
      %dma_wait3A_20 = tpu.memref_squeeze %dma_wait3A_19 : memref<1x640x128xf32, #tpu.memory_space<hbm>> -> memref<640x128xf32, #tpu.memory_space<hbm>>
      %dma_wait3A_21 = arith.constant 0 : i32
      %dma_wait3A_22 = tpu.memref_slice %arg10[%mul3A_12, %dma_wait3A_21] : memref<10240x128xf32, #tpu.memory_space<vmem_shared>> -> memref<640x128xf32, #tpu.memory_space<vmem_shared>>
      tpu.wait_dma2 semaphore(%run_scoped3A : memref<!tpu.dma_semaphore, #tpu.memory_space<semaphore_mem>>) src(%dma_wait3A_22 : memref<640x128xf32, #tpu.memory_space<vmem_shared>>) dst(%dma_wait3A_20 : memref<640x128xf32, #tpu.memory_space<hbm>>)
      tpu.yield
    }) : () -> ()
    return
  }
}

module attributes {stable_mosaic.version = 14 : i64} {
  func.func @_mlp_body(%arg0: i32, %arg1: memref<2000x128xf32, #tpu.memory_space<vmem>>, %arg2: memref<2000x128xf32, #tpu.memory_space<vmem>>, %arg3: memref<2000x128xf32, #tpu.memory_space<vmem>>, %arg4: memref<128x128xf32, #tpu.memory_space<vmem>>, %arg5: memref<128x128xf32, #tpu.memory_space<vmem>>, %arg6: memref<2000x128xf32, #tpu.memory_space<vmem>>) attributes {dimension_semantics = [#tpu.dimension_semantics<arbitrary>], iteration_bounds = array<i64: 5>, scalar_prefetch = 0 : i64, scratch_operands = 0 : i64, tpu.core_type = #tpu.core_type<tc>, window_params = [{transform_indices = @transform_0, window_bounds = array<i64: 2000, 128>}, {transform_indices = @transform_1, window_bounds = array<i64: 2000, 128>}, {transform_indices = @transform_2, window_bounds = array<i64: 2000, 128>}, {pipeline_mode = #tpu.pipeline_mode<synchronous>, transform_indices = @transform_3, window_bounds = array<i64: 128, 128>}, {pipeline_mode = #tpu.pipeline_mode<synchronous>, transform_indices = @transform_4, window_bounds = array<i64: 128, 128>}, {transform_indices = @transform_5, window_bounds = array<i64: 2000, 128>}]} {
    %get3A = arith.constant 0 : index
    %get3A_0 = arith.constant 0 : index
    %get3A_1 = vector.load %arg1[%get3A, %get3A_0] : memref<2000x128xf32, #tpu.memory_space<vmem>>, vector<2000x128xf32>
    %get3A_2 = arith.constant 0 : index
    %get3A_3 = arith.constant 0 : index
    %get3A_4 = vector.load %arg2[%get3A_2, %get3A_3] : memref<2000x128xf32, #tpu.memory_space<vmem>>, vector<2000x128xf32>
    %add3A = arith.addf %get3A_1, %get3A_4 : vector<2000x128xf32>
    %get3A_5 = arith.constant 0 : index
    %get3A_6 = arith.constant 0 : index
    %get3A_7 = vector.load %arg3[%get3A_5, %get3A_6] : memref<2000x128xf32, #tpu.memory_space<vmem>>, vector<2000x128xf32>
    %add3A_8 = arith.addf %add3A, %get3A_7 : vector<2000x128xf32>
    %get3A_9 = arith.constant 0 : index
    %get3A_10 = arith.constant 0 : index
    %get3A_11 = vector.load %arg4[%get3A_9, %get3A_10] : memref<128x128xf32, #tpu.memory_space<vmem>>, vector<128x128xf32>
    %dot_general3A = arith.constant dense<0.000000e+00> : vector<2000x128xf32>
    %dot_general3A_12 = tpu.matmul %add3A_8, %get3A_11, %dot_general3A {dimension_numbers = #tpu.dot_dimension_numbers<[1], [0], [0], [1], [0, 0, 1, 1], [], []>, transpose_lhs_hint = false} : vector<2000x128xf32>, vector<128x128xf32>, vector<2000x128xf32> -> vector<2000x128xf32>
    %neg3A = arith.constant 0.000000e+00 : f32
    %neg3A_13 = vector.broadcast %neg3A : f32 to vector<2000x128xf32>
    %neg3A_14 = arith.subf %neg3A_13, %dot_general3A_12 : vector<2000x128xf32>
    %exp3A = math.exp %neg3A_14 : vector<2000x128xf32>
    %add3A_15 = arith.constant 1.000000e+00 : f32
    %add3A_16 = vector.broadcast %add3A_15 : f32 to vector<2000x128xf32>
    %add3A_17 = arith.addf %add3A_16, %exp3A : vector<2000x128xf32>
    %div3A = arith.constant 1.000000e+00 : f32
    %div3A_18 = vector.broadcast %div3A : f32 to vector<2000x128xf32>
    %div3A_19 = arith.divf %div3A_18, %add3A_17 : vector<2000x128xf32>
    %get3A_20 = arith.constant 0 : index
    %get3A_21 = arith.constant 0 : index
    %get3A_22 = vector.load %arg5[%get3A_20, %get3A_21] : memref<128x128xf32, #tpu.memory_space<vmem>>, vector<128x128xf32>
    %dot_general3A_23 = arith.constant dense<0.000000e+00> : vector<2000x128xf32>
    %dot_general3A_24 = tpu.matmul %div3A_19, %get3A_22, %dot_general3A_23 {dimension_numbers = #tpu.dot_dimension_numbers<[1], [0], [0], [1], [0, 0, 1, 1], [], []>, transpose_lhs_hint = false} : vector<2000x128xf32>, vector<128x128xf32>, vector<2000x128xf32> -> vector<2000x128xf32>
    %neg3A_25 = arith.constant 0.000000e+00 : f32
    %neg3A_26 = vector.broadcast %neg3A_25 : f32 to vector<2000x128xf32>
    %neg3A_27 = arith.subf %neg3A_26, %dot_general3A_24 : vector<2000x128xf32>
    %exp3A_28 = math.exp %neg3A_27 : vector<2000x128xf32>
    %add3A_29 = arith.constant 1.000000e+00 : f32
    %add3A_30 = vector.broadcast %add3A_29 : f32 to vector<2000x128xf32>
    %add3A_31 = arith.addf %add3A_30, %exp3A_28 : vector<2000x128xf32>
    %div3A_32 = arith.constant 1.000000e+00 : f32
    %div3A_33 = vector.broadcast %div3A_32 : f32 to vector<2000x128xf32>
    %div3A_34 = arith.divf %div3A_33, %add3A_31 : vector<2000x128xf32>
    %swap3A = arith.constant 0 : index
    %swap3A_35 = arith.constant 0 : index
    %swap3A_36 = vector.load %arg6[%swap3A, %swap3A_35] : memref<2000x128xf32, #tpu.memory_space<vmem>>, vector<2000x128xf32>
    tpu.vector_store %arg6[%swap3A, %swap3A_35], %div3A_34 {strides = array<i32>} : memref<2000x128xf32, #tpu.memory_space<vmem>>, vector<2000x128xf32>,
    return
  }
  func.func @transform_0(%arg0: i32) -> (i32, i32) {
    %c0_i32 = arith.constant 0 : i32
    %c0_i32_0 = arith.constant 0 : i32
    return %arg0, %c0_i32 : i32, i32
  }
  func.func @transform_1(%arg0: i32) -> (i32, i32) {
    %c0_i32 = arith.constant 0 : i32
    %c0_i32_0 = arith.constant 0 : i32
    return %arg0, %c0_i32 : i32, i32
  }
  func.func @transform_2(%arg0: i32) -> (i32, i32) {
    %c0_i32 = arith.constant 0 : i32
    %c0_i32_0 = arith.constant 0 : i32
    return %arg0, %c0_i32 : i32, i32
  }
  func.func @transform_3(%arg0: i32) -> (i32, i32) {
    %c0_i32 = arith.constant 0 : i32
    %c0_i32_0 = arith.constant 0 : i32
    %c0_i32_1 = arith.constant 0 : i32
    return %c0_i32, %c0_i32_0 : i32, i32
  }
  func.func @transform_4(%arg0: i32) -> (i32, i32) {
    %c0_i32 = arith.constant 0 : i32
    %c0_i32_0 = arith.constant 0 : i32
    %c0_i32_1 = arith.constant 0 : i32
    return %c0_i32, %c0_i32_0 : i32, i32
  }
  func.func @transform_5(%arg0: i32) -> (i32, i32) {
    %c0_i32 = arith.constant 0 : i32
    %c0_i32_0 = arith.constant 0 : i32
    return %arg0, %c0_i32 : i32, i32
  }
}

module attributes {stable_mosaic.version = 14 : i64} {
  func.func @_pool_body(%arg0: i32, %arg1: memref<1x1x2000xi32, #tpu.memory_space<vmem>>, %arg2: memref<2000x128xf32, #tpu.memory_space<vmem>>, %arg3: memref<128x128xf32, #tpu.memory_space<vmem>>, %arg4: memref<1x128xf32, #tpu.memory_space<vmem>>, %arg5: memref<64x128xf32, #tpu.memory_space<vmem>>, %arg6: memref<64x128xf32, #tpu.memory_space<vmem>>) attributes {dimension_semantics = [#tpu.dimension_semantics<arbitrary>], iteration_bounds = array<i64: 5>, scalar_prefetch = 0 : i64, scratch_operands = 0 : i64, tpu.core_type = #tpu.core_type<tc>, window_params = [{transform_indices = @transform_0, window_bounds = array<i64: 1, 1, 2000>}, {transform_indices = @transform_1, window_bounds = array<i64: 2000, 128>}, {pipeline_mode = #tpu.pipeline_mode<synchronous>, transform_indices = @transform_2, window_bounds = array<i64: 128, 128>}, {pipeline_mode = #tpu.pipeline_mode<synchronous>, transform_indices = @transform_3, window_bounds = array<i64: 1, 128>}, {pipeline_mode = #tpu.pipeline_mode<synchronous>, transform_indices = @transform_4, window_bounds = array<i64: 64, 128>}, {pipeline_mode = #tpu.pipeline_mode<synchronous>, transform_indices = @transform_5, window_bounds = array<i64: 64, 128>}]} {
    %eq3A = arith.constant 0 : i32
    %eq3A_0 = arith.cmpi eq, %arg0, %eq3A : i32
    %convert_element_type3A = arith.extui %eq3A_0 : i1 to i32
    %cond3A = arith.constant 0 : i32
    %cond3A_1 = arith.cmpi ne, %convert_element_type3A, %cond3A : i32
    scf.if %cond3A_1 {
      %broadcast_in_dim3A = arith.constant 0.000000e+00 : f32
      %broadcast_in_dim3A_24 = vector.broadcast %broadcast_in_dim3A : f32 to vector<64x128xf32>
      %swap3A_25 = arith.constant 0 : index
      %swap3A_26 = arith.constant 0 : index
      %swap3A_27 = vector.load %arg5[%swap3A_25, %swap3A_26] : memref<64x128xf32, #tpu.memory_space<vmem>>, vector<64x128xf32>
      tpu.vector_store %arg5[%swap3A_25, %swap3A_26], %broadcast_in_dim3A_24 {strides = array<i32>} : memref<64x128xf32, #tpu.memory_space<vmem>>, vector<64x128xf32>,
    } else {
    }
    %get3A = arith.constant 0 : index
    %get3A_2 = arith.constant 0 : index
    %get3A_3 = arith.constant 0 : index
    %get3A_4 = vector.load %arg1[%get3A, %get3A_2, %get3A_3] : memref<1x1x2000xi32, #tpu.memory_space<vmem>>, vector<1x1x2000xi32>
    %get3A_5 = vector.shape_cast %get3A_4 : vector<1x1x2000xi32> to vector<1x2000xi32>
    %iota3A = tpu.iota {dimensions = array<i32: 0>} : vector<64x2000xi32>
    %eq3A_6 = vector.broadcast %get3A_5 : vector<1x2000xi32> to vector<64x2000xi32>
    %eq3A_7 = arith.cmpi eq, %iota3A, %eq3A_6 : vector<64x2000xi32>
    %convert_element_type3A_8 = arith.extui %eq3A_7 : vector<64x2000xi1> to vector<64x2000xi32>
    %convert_element_type3A_9 = arith.sitofp %convert_element_type3A_8 : vector<64x2000xi32> to vector<64x2000xf32>
    %get3A_10 = arith.constant 0 : index
    %get3A_11 = arith.constant 0 : index
    %get3A_12 = vector.load %arg5[%get3A_10, %get3A_11] : memref<64x128xf32, #tpu.memory_space<vmem>>, vector<64x128xf32>
    %get3A_13 = arith.constant 0 : index
    %get3A_14 = arith.constant 0 : index
    %get3A_15 = vector.load %arg2[%get3A_13, %get3A_14] : memref<2000x128xf32, #tpu.memory_space<vmem>>, vector<2000x128xf32>
    %dot_general3A = arith.constant dense<0.000000e+00> : vector<64x128xf32>
    %dot_general3A_16 = tpu.matmul %convert_element_type3A_9, %get3A_15, %dot_general3A {dimension_numbers = #tpu.dot_dimension_numbers<[1], [0], [0], [1], [0, 0, 1, 1], [], []>, transpose_lhs_hint = false} : vector<64x2000xf32>, vector<2000x128xf32>, vector<64x128xf32> -> vector<64x128xf32>
    %add3A = arith.addf %get3A_12, %dot_general3A_16 : vector<64x128xf32>
    %swap3A = arith.constant 0 : index
    %swap3A_17 = arith.constant 0 : index
    %swap3A_18 = vector.load %arg5[%swap3A, %swap3A_17] : memref<64x128xf32, #tpu.memory_space<vmem>>, vector<64x128xf32>
    tpu.vector_store %arg5[%swap3A, %swap3A_17], %add3A {strides = array<i32>} : memref<64x128xf32, #tpu.memory_space<vmem>>, vector<64x128xf32>,
    %eq3A_19 = arith.constant 4 : i32
    %eq3A_20 = arith.cmpi eq, %arg0, %eq3A_19 : i32
    %convert_element_type3A_21 = arith.extui %eq3A_20 : i1 to i32
    %cond3A_22 = arith.constant 0 : i32
    %cond3A_23 = arith.cmpi ne, %convert_element_type3A_21, %cond3A_22 : i32
    scf.if %cond3A_23 {
      %get3A_24 = arith.constant 0 : index
      %get3A_25 = arith.constant 0 : index
      %get3A_26 = vector.load %arg5[%get3A_24, %get3A_25] : memref<64x128xf32, #tpu.memory_space<vmem>>, vector<64x128xf32>
      %get3A_27 = arith.constant 0 : index
      %get3A_28 = arith.constant 0 : index
      %get3A_29 = vector.load %arg3[%get3A_27, %get3A_28] : memref<128x128xf32, #tpu.memory_space<vmem>>, vector<128x128xf32>
      %dot_general3A_30 = arith.constant dense<0.000000e+00> : vector<64x128xf32>
      %dot_general3A_31 = tpu.matmul %get3A_26, %get3A_29, %dot_general3A_30 {dimension_numbers = #tpu.dot_dimension_numbers<[1], [0], [0], [1], [0, 0, 1, 1], [], []>, transpose_lhs_hint = false} : vector<64x128xf32>, vector<128x128xf32>, vector<64x128xf32> -> vector<64x128xf32>
      %get3A_32 = arith.constant 0 : index
      %get3A_33 = arith.constant 0 : index
      %get3A_34 = vector.load %arg4[%get3A_32, %get3A_33] : memref<1x128xf32, #tpu.memory_space<vmem>>, vector<1x128xf32>
      %add3A_35 = vector.broadcast %get3A_34 : vector<1x128xf32> to vector<64x128xf32>
      %add3A_36 = arith.addf %dot_general3A_31, %add3A_35 : vector<64x128xf32>
      %iota3A_37 = tpu.iota {dimensions = array<i32: 1>} : vector<64x128xi32>
      %lt3A = arith.constant 10 : i32
      %lt3A_38 = vector.broadcast %lt3A : i32 to vector<64x128xi32>
      %lt3A_39 = arith.cmpi slt, %iota3A_37, %lt3A_38 : vector<64x128xi32>
      %jit3A = arith.constant 0xFF800000 : f32
      %broadcast_in_dim3A = vector.broadcast %jit3A : f32 to vector<64x128xf32>
      %select_n3A = arith.select %lt3A_39, %add3A_36, %broadcast_in_dim3A : vector<64x128xi1>, vector<64x128xf32>
      %reduce_max3A = arith.constant dense<0xFF800000> : vector<64xf32>
      %reduce_max3A_40 = vector.multi_reduction <maximumf>, %select_n3A, %reduce_max3A [1] : vector<64x128xf32> to vector<64xf32>
      %broadcast_in_dim3A_41 = vector.shape_cast %reduce_max3A_40 : vector<64xf32> to vector<64x1xf32>
      %sub3A = vector.broadcast %broadcast_in_dim3A_41 : vector<64x1xf32> to vector<64x128xf32>
      %sub3A_42 = arith.subf %add3A_36, %sub3A : vector<64x128xf32>
      %exp3A = math.exp %sub3A_42 : vector<64x128xf32>
      %jit3A_43 = arith.constant 0.000000e+00 : f32
      %broadcast_in_dim3A_44 = vector.broadcast %jit3A_43 : f32 to vector<64x128xf32>
      %select_n3A_45 = arith.select %lt3A_39, %exp3A, %broadcast_in_dim3A_44 : vector<64x128xi1>, vector<64x128xf32>
      %reduce_sum3A = arith.constant dense<0.000000e+00> : vector<64xf32>
      %reduce_sum3A_46 = vector.multi_reduction <add>, %select_n3A_45, %reduce_sum3A [1] : vector<64x128xf32> to vector<64xf32>
      %broadcast_in_dim3A_47 = vector.shape_cast %reduce_sum3A_46 : vector<64xf32> to vector<64x1xf32>
      %log3A = math.log %broadcast_in_dim3A_47 : vector<64x1xf32>
      %add3A_48 = arith.addf %log3A, %broadcast_in_dim3A_41 : vector<64x1xf32>
      %sub3A_49 = vector.broadcast %add3A_48 : vector<64x1xf32> to vector<64x128xf32>
      %sub3A_50 = arith.subf %add3A_36, %sub3A_49 : vector<64x128xf32>
      %swap3A_51 = arith.constant 0 : index
      %swap3A_52 = arith.constant 0 : index
      %swap3A_53 = vector.load %arg6[%swap3A_51, %swap3A_52] : memref<64x128xf32, #tpu.memory_space<vmem>>, vector<64x128xf32>
      tpu.vector_store %arg6[%swap3A_51, %swap3A_52], %sub3A_50 {strides = array<i32>} : memref<64x128xf32, #tpu.memory_space<vmem>>, vector<64x128xf32>,
    } else {
    }
    return
  }
  func.func @transform_0(%arg0: i32) -> (i32, i32, i32) {
    %c0_i32 = arith.constant 0 : i32
    %c0_i32_0 = arith.constant 0 : i32
    %c0_i32_1 = arith.constant 0 : i32
    return %arg0, %c0_i32, %c0_i32_0 : i32, i32, i32
  }
  func.func @transform_1(%arg0: i32) -> (i32, i32) {
    %c0_i32 = arith.constant 0 : i32
    %c0_i32_0 = arith.constant 0 : i32
    return %arg0, %c0_i32 : i32, i32
  }
  func.func @transform_2(%arg0: i32) -> (i32, i32) {
    %c0_i32 = arith.constant 0 : i32
    %c0_i32_0 = arith.constant 0 : i32
    %c0_i32_1 = arith.constant 0 : i32
    return %c0_i32, %c0_i32_0 : i32, i32
  }
  func.func @transform_3(%arg0: i32) -> (i32, i32) {
    %c0_i32 = arith.constant 0 : i32
    %c0_i32_0 = arith.constant 0 : i32
    %c0_i32_1 = arith.constant 0 : i32
    return %c0_i32, %c0_i32_0 : i32, i32
  }
  func.func @transform_4(%arg0: i32) -> (i32, i32) {
    %c0_i32 = arith.constant 0 : i32
    %c0_i32_0 = arith.constant 0 : i32
    %c0_i32_1 = arith.constant 0 : i32
    return %c0_i32, %c0_i32_0 : i32, i32
  }
  func.func @transform_5(%arg0: i32) -> (i32, i32) {
    %c0_i32 = arith.constant 0 : i32
    %c0_i32_0 = arith.constant 0 : i32
    %c0_i32_1 = arith.constant 0 : i32
    return %c0_i32, %c0_i32_0 : i32, i32
  }
}

</mosaic_0001>

<sc_bundles>
// kernel: kernel.11.cloned.1.call-start
scs
__scs_entry_jumppad:
0x0: {  	(pc) =	sbr.rel $0x88, $3  }
0x1: {  	(tag) =	ssettag $0x0;
	lr =	simm.s32 $0x1  }
0x2: {  	[smem:$0x3F9A] =	sst lr;
	_ =	strace $0xD0000000  }
0x3: {  	_ = 	snop  }
0x4: {  	_ = 	snop  }
0x5: {  	_ = 	snop  }
0x6: {  	_ = 	snop  }
0x7: {  	_ = 	snop  }
__scs_overlays_trampoline_lowered:
0x8: {  	[smem:$0x3FA9] =	sst s0  }
0x9: {  	[smem:$0x3FAA] =	sst s1  }
0xa: {  	[smem:$0x3FAB] =	sst s2  }
0xb: {  	[smem:$0x3FAC] =	sst s3  }
0xc: {  	[smem:$0x3FAD] =	sst s4  }
0xd: {  	[smem:$0x3FAE] =	sst s5  }
0xe: {  	[smem:$0x3FAF] =	sst s6  }
0xf: {  	[smem:$0x3FB0] =	sst s7  }
0x10: {  	[smem:$0x3FB1] =	sst s8  }
0x11: {  	[smem:$0x3FB2] =	sst s9;
	s0 =	simm.s32 @!p0 $0x0  }
0x12: {  	s1 =	sld [smem:$0x3F98];
	s0 =	simm.s32 @p0 $0x1  }
0x13: {  	[smem:$0x3FB3] =	sst s0;
	s0 =	simm.s32 @!p1 $0x0  }
0x14: {  	s2 =	sld [smem:$0x3F97];
	s0 =	simm.s32 @p1 $0x1  }
0x15: {  	[smem:$0x3FB4] =	sst s0;
	s0 =	simm.s32 @!p2 $0x0  }
0x16: {  	s3 =	sld [smem:$0x3FDB];
	s0 =	simm.s32 @p2 $0x1  }
0x17: {  	s4 =	simm.s32 $0x1BF5;
	[smem:$0x3FB6] =	sst s0  }
0x18: {  	s0 =	sld [smem:$0x3F99];
	_ =	swait.ge [sflag:s4], $0x0  }
0x19: {  	s7 =	sld [smem:$0x3F9A]  }
0x1a: {  	s8 =	sadd.s32 $0xFFFFE003, lr  }
0x1b: {  	s9 =	sadd.s32 $0xFFFFFEF7, lr;
	s5 =	simm.s32 $0xFFFFFFFF;
	p2 =	slt.u32 s8, $0xFFFFF086  }
0x1c: {  	p1 =	slt.u32 s9, $0xF7A;
	s5 =	simm.s32 @!p2 $0x0  }
0x1d: {  	s5 =	simm.s32 @p1 $0x1;
	p0 =	seq.s32 s7, s2  }
0x1e: {  	s7 =	smul.u32 @!p0 $0xF7A, s2;
	p2 =	seq.s32 @!p0 s5, $0x0  }
0x1f: {  	s9 =	smul.u32 $0xF7A, s1;
	s8 =	simm.s32 @!p0 $0x1BF5;
	p2 =	por !p2, p0  }
0x20: {  	[sflag:s8] =	ssyncset.s32 @!p0 $0xFFFFF086;
	s6 =	sadd.s32 @!p0 s3, s7;
	s7 =	simm.s32 @!p0 $0x108  }
0x21: {  	s3 =	sadd.s32 s3, s9;
	s6 =	sadd.s32 @!p0 $0x88, s6;
	s7 =	simm.s32 @p2 $0x1082  }
0x22: {  	[simem:s7], [sflag:s8] =	dma.local @!p0 [hbm:s6], $0xF7A  }
0x23: {  	s9 =	sor.u32 $0xD0000000, s2;
	s6 =	simm.s32 $0x108;
	_ =	swait.ge @!p0 [sflag:s8], $0x0  }
0x24: {  	s3 =	sadd.s32 $0x88, s3;
	s6 =	simm.s32 @!p1 $0x1082;
	[sflag:s4] =	ssyncset.s32 $0xFFFFF086  }
0x25: {  	[simem:s6], [sflag:s4] =	dma.local [hbm:s3], $0xF7A  }
0x26: {  	[smem:$0x3F9A] =	sst s1;
	(tag) =	ssettag s2;
	_ =	strace s9  }
0x27: {  	s1 =	sld [smem:$0x3FAA]  }
0x28: {  	s2 =	sld [smem:$0x3FAB]  }
0x29: {  	s4 =	sld [smem:$0x3FAD]  }
0x2a: {  	p0 =	seq.s32 s5, $0x0;
	s5 =	sld [smem:$0x3FAE]  }
0x2b: {  	s6 =	sld [smem:$0x3FAF]  }
0x2c: {  	s7 =	sld [smem:$0x3FB0]  }
0x2d: {  	s3 =	simm.s32 $0x108;
	s8 =	sld [smem:$0x3FB1]  }
0x2e: {  	s3 =	simm.s32 @!p0 $0x1082;
	s9 =	sld [smem:$0x3FB2]  }
0x2f: {  	lr =	sadd.s32 s0, s3;
	s0 =	sld [smem:$0x3FA9]  }
0x30: {  	s3 =	sld [smem:$0x3FAC]  }
0x31: {  	[smem:$0x3FB5] =	sst s10  }
0x32: {  	s10 =	sld [smem:$0x3FB3];
	_ =	sdelay $0x3  }
0x33: {  	p0 =	seq.s32 s10, $0x1;
	s10 =	sld [smem:$0x3FB5];
	_ =	sdelay $0x3  }
0x34: {  	[smem:$0x3FB5] =	sst s10  }
0x35: {  	s10 =	sld [smem:$0x3FB4];
	_ =	sdelay $0x3  }
0x36: {  	p1 =	seq.s32 s10, $0x1;
	s10 =	sld [smem:$0x3FB5];
	_ =	sdelay $0x3  }
0x37: {  	[smem:$0x3FB5] =	sst s10  }
0x38: {  	s10 =	sld [smem:$0x3FB6]  }
0x39: {  	_ = 	snop;
	(pc) =	sbr.ind lr, $3  }
0x3a: {  	_ = 	snop  }
0x3b: {  	_ = 	snop  }
0x3c: {  	p2 =	seq.s32 s10, $0x1;
	s10 =	sld [smem:$0x3FB5]  }
0x3d: {  	_ =	shalt  }
0x3e: {  	_ =	shalt  }
0x3f: {  	_ =	shalt  }
0x40: {  	_ =	shalt  }
0x41: {  	_ =	shalt  }
0x42: {  	_ =	shalt  }
0x43: {  	_ =	shalt  }
0x44: {  	_ =	shalt  }
0x45: {  	_ =	shalt  }
0x46: {  	_ =	shalt  }
0x47: {  	_ =	shalt  }
0x48: {  	_ =	shalt  }
0x49: {  	_ =	shalt  }
0x4a: {  	_ =	shalt  }
0x4b: {  	_ =	shalt  }
0x4c: {  	_ =	shalt  }
0x4d: {  	_ =	shalt  }
0x4e: {  	_ =	shalt  }
0x4f: {  	_ =	shalt  }
0x50: {  	_ =	shalt  }
0x51: {  	_ =	shalt  }
0x52: {  	_ =	shalt  }
0x53: {  	_ =	shalt  }
0x54: {  	_ =	shalt  }
0x55: {  	_ =	shalt  }
0x56: {  	_ =	shalt  }
0x57: {  	_ =	shalt  }
0x58: {  	_ =	shalt  }
0x59: {  	_ =	shalt  }
0x5a: {  	_ =	shalt  }
0x5b: {  	_ =	shalt  }
0x5c: {  	_ =	shalt  }
0x5d: {  	_ =	shalt  }
0x5e: {  	_ =	shalt  }
0x5f: {  	_ =	shalt  }
0x60: {  	_ =	shalt  }
0x61: {  	_ =	shalt  }
0x62: {  	_ =	shalt  }
0x63: {  	_ =	shalt  }
0x64: {  	_ =	shalt  }
0x65: {  	_ =	shalt  }
0x66: {  	_ =	shalt  }
0x67: {  	_ =	shalt  }
0x68: {  	_ =	shalt  }
0x69: {  	_ =	shalt  }
0x6a: {  	_ =	shalt  }
0x6b: {  	_ =	shalt  }
0x6c: {  	_ =	shalt  }
0x6d: {  	_ =	shalt  }
0x6e: {  	_ =	shalt  }
0x6f: {  	_ =	shalt  }
0x70: {  	_ =	shalt  }
0x71: {  	_ =	shalt  }
0x72: {  	_ =	shalt  }
0x73: {  	_ =	shalt  }
0x74: {  	_ =	shalt  }
0x75: {  	_ =	shalt  }
0x76: {  	_ =	shalt  }
0x77: {  	_ =	shalt  }
0x78: {  	_ =	shalt  }
0x79: {  	_ =	shalt  }
0x7a: {  	_ =	shalt  }
0x7b: {  	_ =	shalt  }
0x7c: {  	_ =	shalt  }
0x7d: {  	_ =	shalt  }
0x7e: {  	_ =	shalt  }
0x7f: {  	_ =	shalt  }
0x80: {  	_ =	shalt  }
0x81: {  	_ =	shalt  }
0x82: {  	_ =	shalt  }
0x83: {  	_ =	shalt  }
0x84: {  	_ =	shalt  }
0x85: {  	_ =	shalt  }
0x86: {  	_ =	shalt  }
0x87: {  	_ =	shalt  }
.Lfunc_end0:
.L_simem_size_0:
called_computation_lowered:
.L_overlay_start_0:
0x88: {  	s2 =	sld [smem:$0x3FD9]  }
0x89: {  	s3 =	sld [smem:$0x3FFE];
	_ =	sdelay $0x1  }
0x8a: {  	s1 =	srdreg.scid  }
0x8b: {  	s0 =	sand.u32 $0x1, s1  }
0x8c: {  	s17 =	sshll.u32 s0, $0xA;
	s2 =	sadd.s32 s3, s2  }
0x8d: {  	s2 =	sadd.s32 s2, s17  }
0x8e: {  	[smem:$0x3FC1] =	sst s2  }
0x8f: {  	_ = 	snop  }
0x90: {  	s2 =	sld [smem:$0x3FC9];
	(tm) =	ssettm $0x1  }
0x91: {  	s18 =	sld [smem:$0x3FFB];
	_ =	sdelay $0x3  }
0x92: {  	_ =	strace s18  }
0x93: {  	s3 =	sld [smem:$0x3FFC];
	_ =	sdelay $0x3  }
0x94: {  	_ =	strace s3  }
0x95: {  	s3 =	sld [smem:$0x3FFD];
	_ =	sdelay $0x3  }
0x96: {  	_ =	strace s3  }
0x97: {  	_ =	strace $0x8FFFFFFF  }
0x98: {  	s19 =	sld [smem:$0x3FDB];
	_ =	sdelay $0x1  }
0x99: {  	s4 =	simm.s32 $_scs_section_size  }
0x9a: {  	s5 =	simm.s32 $_size__tile_overlayer_lowered;
	s6 =	simm.s32 $_tile_overlayer_lowered  }
0x9b: {  	s22 =	simm.s32 $0x1BFF;
	s21 =	sshll.u32 s6, $0x1;
	s3 =	sadd.s32 s4, s19  }
0x9c: {  	s7 =	simm.s32 $0x0;
	s20 =	sshll.u32 s5, $0x1;
	s5 =	sadd.s32 s21, s3  }
0x9d: {  	[timem:s7], [sflag:s22] =	dma.local [hbm:s5], s20  }
0x9e: {  	_ =	swait.ge [sflag:s22], s20  }
0x9f: {  	s4 =	ssub.s32 $0x0, s20;
	[sflag:s22] =	ssyncset.done $0x0  }
0xa0: {  	[sflag:s22] =	ssyncadd.s32 s4;
	_ =	sdelay $0x1  }
0xa1: {  	s23 =	simm.s32 $0x1B8B  }
0xa2: {  	_ =	swait.ge [sflag:s23], $0x1  }
0xa3: {  	[sflag:s23] =	ssyncset.done $0x0  }
0xa4: {  	s25 =	simm.s32 $0x1B8E;
	s24 =	sld [smem:$0x3FFE];
	[sflag:s23] =	ssyncadd.s32 $0xFFFFFFFF  }
0xa5: {  	s26 =	simm.s32 $execute0_lowered;
	[smem:$0x3FD2] =	sst s25  }
0xa6: {  	s5 =	sshll.u32 s26, $0x1;
	_ =	strace $0x80000046;
	[dreg:$0x1] =	wrdreg $0xFFFFFFFF  }
0xa7: {  	s28 =	simm.s32 $_size_execute0_lowered;
	s3 =	sadd.s32 s3, s5;
	[dreg:$0x0] =	wrdreg $0x0  }
0xa8: {  	s5 =	sshll.u32 s28, $0x1;
	[dreg:$0x2] =	wrdreg s3  }
0xa9: {  	[dreg:$0x3] =	wrdreg s5  }
0xaa: {  	[dreg:$0x4] =	wrdreg $0xC0  }
0xab: {  	_ =	task [dreg:s7], $0x5FFFF  }
0xac: {  	[dreg:$0x1] =	wrdreg $0xFFFFFFFF  }
0xad: {  	[dreg:$0x0] =	wrdreg $0x60  }
0xae: {  	[dreg:$0x2] =	wrdreg s2  }
0xaf: {  	[dreg:$0x3] =	wrdreg s24  }
0xb0: {  	[dreg:$0x4] =	wrdreg $0xA8000  }
0xb1: {  	[dreg:$0x5] =	wrdreg $0x9  }
0xb2: {  	_ =	task.clear_ibuf [dreg:s7], $0x6FFFF;
	_ =	strace $0x90000046  }
0xb3: {  	s29 =	simm.s32 $0x9;
	_ =	strace $0x80000048  }
0xb4: {  	_ =	swait.ge [sflag:s29], $0x1  }
0xb5: {  	[sflag:s29] =	ssyncadd.s32 $0xFFFFFFFF  }
0xb6: {  	_ =	strace $0x90000048  }
0xb7: {  	_ =	sfence  }
0xb8: {  	s30 =	sld [smem:$0x0];
	_ =	sdelay $0x2  }
0xb9: {  	s31 =	sshll.u32 s1, $0xD;
	s1 =	sshrl.u32 s1, $0x2  }
0xba: {  	s3 =	sand.u32 $0x4000, s31;
	s1 =	sadd.s32 s1, s30  }
0xbb: {  	s0 =	sor.u32 s3, s0;
	s1 =	sshll.u32 s1, $0x11  }
0xbc: {  	s0 =	sor.u32 s1, s0  }
0xbd: {  	s0 =	sadd.s32 $0x8F2B, s0  }
0xbe: {  	[sflag:s0] =	ssyncadd.remote.s32 $0x1  }
0xbf: {  	_ =	sfence.sel $0xFFFF  }
0xc0: {  	[dreg:$0x0] =	wrdreg $0xFFFFFFFF;
	(pc) =	sbr.abs _section_cstart, $3  }
0xc1: {  	[dreg:$0x1] =	wrdreg $0xFFFFFFFF  }
0xc2: {  	_ =	task.clear_ibuf [dreg:s7], $0x2FFFF;
	_ =	strace $0x9FFFFFFF  }
0xc3: {  	(tm) =	ssettm $0x7FFFFFFF  }
tec
execute0_lowered:
.L_overlay_start_1:
0x0: {  	(tag) =	ssettag $0x1  }
0x1: {  	s1 =	rddreg [dreg:$0x0]  }
0x2: {  	s5 =	rddreg [dreg:$0x1]  }
0x3: {  	s3 =	rddreg [dreg:$0x2]  }
0x4: {  	s0 =	rddreg [dreg:$0x3];
	s6 =	srdreg.scid  }
0x5: {  	s4 =	simm.s32 $0x0;
	s2 =	stileid.u32;
	s14 =	simm.s32 $0x50  }
0x6: {  	s15 =	simm.s32 $0x8000;
	s16 =	simm.s32 $0x1;
	s17 =	simm.s32 $0x0  }
0x7: {  	s6 =	sand.u32 $0x1, s6;
	s8 =	sshll.u32 s2, $0xB;
	s9 =	smul.u32 $0x14000, s2  }
0x8: {  	[smem:$0x7FF] =	sst s4;
	s29 =	smul.u32 $0x50000, s2;
	s31 =	sshll.u32 s2, $0x6  }
0x9: {  	s7 =	sshll.u32 s6, $0xF;
	s26 =	smul.u32 $0x140000, s6;
	_ =	strace $0x80000047  }
0xa: {  	s6 =	ssub.s32 $0x2, s6;
	s7 =	sor.u32 s8, s7;
	s28 =	sshrl.u32 s9, $0x3  }
0xb: {  	s11 =	sshrl.u32 s6, $0x1;
	s30 =	sshrl.u32 s29, $0x2;
	s10 =	sadd.s32 s7, s5  }
0xc: {  	s8 =	sadd.s32 s9, s26;
	s7 =	sadd.s32 s28, s5;
	s11 =	ssub.s32 s6, s11  }
0xd: {  	s13 =	sadd.s32 s30, s3;
	s6 =	sor.u32 $0x1C02, s31;
	s8 =	sshrl.u32 s8, $0x3  }
0xe: {  	s12 =	sadd.s32 s8, s5;
	s5 =	sadd.s32 $0x23E00, s7;
	s7 =	sadd.s32 $0x3E00, s10  }
0xf: {  	s8 =	sadd.s32 $0x13E00, s10;
	s10 =	smax.u32 s11, $0x1;
	s11 =	sshrl.u32 s13, $0x3  }
0x10: {  	s13 =	simm.s32 $0x4000;
	s9 =	sadd.s32 $0x4BE00, s12;
	s12 =	simm.s32 $0x2  }
.LBB2_1:
0x11: {  	[spmem:s11], [sflag:s6] =	dma.local [hbm:s5], $0x2800  }
0x12: {  	_ =	swait.ge [sflag:s12], $0x2800  }
0x13: {  	[sflag:s12] =	ssyncset.done $0x0  }
0x14: {  	[sflag:s12] =	ssyncadd.s32 $0xFFFFD800  }
0x15: {  	[tilespmem:s4], [sflag:$0x2] =	stream.linear.gather [hbm4b:s7+s4], $0x3E80, $0x38;
	[tilespmem:$0x1E800] =	vst v63  }
0x16: {  	_ =	swait.ge [sflag:s12], $0x3E80  }
0x17: {  	[sflag:s12] =	ssyncset.done $0x0  }
0x18: {  	[sflag:s12] =	ssyncadd.s32 $0xFFFFC180  }
0x19: {  	[tilespmem:s13], [sflag:$0x2] =	stream.linear.gather [hbm4b:s8+s4], $0x3E80, $0x38;
	[tilespmem:$0x1E800] =	vst v63  }
0x1a: {  	_ =	swait.ge [sflag:s12], $0x3E80  }
0x1b: {  	[sflag:s12] =	ssyncset.done $0x0  }
0x1c: {  	[sflag:s12] =	ssyncadd.s32 $0xFFFFC180  }
0x1d: {  	s18 =	simm.s32 $0x0;
	[bflag:$0x0] =	sbarrier.arrive $0xFFFF  }
0x1e: {  	[tilespmem:s15], [sflag:$0x1] =	stream.indirect.gather [hbm4b:s1+s14], $0x80, s18, s14, $0xb8;
	[tilespmem:$0x1E800] =	vst v63  }
0x1f: {  	_ =	swait.ge [sflag:s16], $0x2800  }
0x20: {  	[sflag:s16] =	ssyncset.done $0x0  }
0x21: {  	s31 =	simm.s32 $0x4000;
	[sflag:s16] =	ssyncadd.s32 $0xFFFFD800  }
0x22: {  	[spmem:s3] =	stream.indirect.scatter.add.f32 [tilespmem:s15], [sflag:$0x2], $0x80, s31, s14, $0xb8;
	[tilespmem:$0x1E800] =	vst v63  }
0x23: {  	_ =	swait.ge [sflag:s12], $0x2800  }
0x24: {  	s19 =	simm.s32 $0x400;
	s18 =	simm.s32 $0x200;
	[sflag:s12] =	ssyncset.done $0x0  }
.LBB2_2:
0x25: {  	s20 =	sshra.s32 s18, $0x2  }
0x26: {  	[sflag:s12] =	ssyncadd.s32 $0xFFFFD800;
	s18 =	smov.u32 s19;
	s21 =	sadd.s32 $0x200, s19  }
0x27: {  	[tilespmem:s15], [sflag:$0x1] =	stream.indirect.gather [hbm4b:s1+s14], $0x80, s20, s14, $0xb8;
	[tilespmem:$0x1E800] =	vst v63  }
0x28: {  	p0 =	sne.s32 s19, $0xF800;
	_ =	swait.ge [sflag:s16], $0x2800  }
.Ltmp0:
0x29: {  	[sflag:s16] =	ssyncset.done $0x0;
	(pc) =	sbr.rel @p0 .LBB2_2-.Ltmp0, $4  }
0x2a: {  	s19 =	sadd.s32 $0x4000, s20;
	[sflag:s16] =	ssyncadd.s32 $0xFFFFD800  }
0x2b: {  	[spmem:s3] =	stream.indirect.scatter.add.f32 [tilespmem:s15], [sflag:$0x2], $0x80, s19, s14, $0xb8;
	[tilespmem:$0x1E800] =	vst v63  }
0x2c: {  	_ =	swait.ge [sflag:s12], $0x2800  }
0x2d: {  	s19 =	smov.u32 s21;
	[sflag:s12] =	ssyncset.done $0x0  }
0x2e: {  	s18 =	sshra.s32 s18, $0x2;
	[sflag:s12] =	ssyncadd.s32 $0xFFFFD800  }
0x2f: {  	[tilespmem:s15], [sflag:$0x1] =	stream.indirect.gather [hbm4b:s1+s14], $0x80, s18, s14, $0xb8;
	[tilespmem:$0x1E800] =	vst v63  }
0x30: {  	_ =	swait.ge [sflag:s16], $0x2800  }
0x31: {  	[sflag:s16] =	ssyncset.done $0x0  }
0x32: {  	s18 =	sadd.s32 $0x4000, s18;
	[sflag:s16] =	ssyncadd.s32 $0xFFFFD800  }
0x33: {  	[spmem:s3] =	stream.indirect.scatter.add.f32 [tilespmem:s15], [sflag:$0x2], $0x80, s18, s14, $0xb8;
	[tilespmem:$0x1E800] =	vst v63  }
0x34: {  	_ =	swait.ge [sflag:s12], $0x2800  }
0x35: {  	s17 =	sadd.s32 $0x1, s17;
	[sflag:s12] =	ssyncset.done $0x0  }
0x36: {  	p0 =	sne.s32 s17, s10;
	[sflag:s12] =	ssyncadd.s32 $0xFFFFD800  }
.Ltmp1:
0x37: {  	[bflag:$0x0] =	sbarrier.arrive $0xFFFF;
	(pc) =	sbr.rel @p0 .LBB2_1-.Ltmp1, $4  }
0x38: {  	[hbm:s9], [sflag:s6] =	dma.local [spmem:s11], $0x2800  }
0x39: {  	_ =	swait.ge [sflag:s12], $0x2800  }
0x3a: {  	[sflag:s12] =	ssyncset.done $0x0  }
0x3b: {  	[sflag:s12] =	ssyncadd.s32 $0xFFFFD800  }
0x3c: {  	_ =	sfence.sel $0x180000  }
0x3d: {  	[bflag:$0x0] =	sbarrier.arrive $0xFFFF  }
0x3e: {  	p0 =	sne.s32 s2, $0x0;
	_ =	strace $0x90000047  }
0x3f: {  	s0 =	sadd.s32 @!p0 $0x100000, s0;
	[bflag:$0x2] =	sbarrier.arrive $0xFFFF  }
0x40: {  	[sflag:s0] =	ssyncadd.tile.s32 @!p0 $0x1;
	_ =	shalt  }
.Lfunc_end2:
_tile_overlayer_lowered:
.L_overlay_start_2:
0x41: {  	(tag) =	ssettag $0x2  }
0x42: {  	s0 =	rddreg [dreg:$0x0];
	s2 =	stileid.u32  }
0x43: {  	s1 =	rddreg [dreg:$0x1];
	p0 =	sne.s32 s2, $0x0  }
0x44: {  	s3 =	rddreg [dreg:$0x2];
	[bflag:$0x3] =	sbarrier.arrive $0xFFFF;
	s2 =	simm.s32 @!p0 $0x1C02  }
0x45: {  	[timem:s3], [sflag:s2] =	dma.local @!p0 [hbm:s0], s1  }
0x46: {  	s0 =	simm.s32 @!p0 $0x2  }
0x47: {  	_ =	swait.ge @!p0 [sflag:s0], s1  }
0x48: {  	s1 =	ssub.s32 @!p0 $0x0, s1;
	[sflag:s0] =	ssyncset.done @!p0 $0x0  }
0x49: {  	[sflag:s0] =	ssyncadd.s32 @!p0 s1  }
0x4a: {  	[bflag:$0x3] =	sbarrier.arrive $0xFFFF  }
0x4b: {  	_ =	shalt  }

// kernel: kernel.14.cloned.1.call-start
scs
__scs_entry_jumppad:
0x0: {  	(pc) =	sbr.rel $0x88, $3  }
0x1: {  	(tag) =	ssettag $0x0;
	lr =	simm.s32 $0x1  }
0x2: {  	[smem:$0x3F9A] =	sst lr;
	_ =	strace $0xD0000000  }
0x3: {  	_ = 	snop  }
0x4: {  	_ = 	snop  }
0x5: {  	_ = 	snop  }
0x6: {  	_ = 	snop  }
0x7: {  	_ = 	snop  }
__scs_overlays_trampoline_lowered:
0x8: {  	[smem:$0x3FA9] =	sst s0  }
0x9: {  	[smem:$0x3FAA] =	sst s1  }
0xa: {  	[smem:$0x3FAB] =	sst s2  }
0xb: {  	[smem:$0x3FAC] =	sst s3  }
0xc: {  	[smem:$0x3FAD] =	sst s4  }
0xd: {  	[smem:$0x3FAE] =	sst s5  }
0xe: {  	[smem:$0x3FAF] =	sst s6  }
0xf: {  	[smem:$0x3FB0] =	sst s7  }
0x10: {  	[smem:$0x3FB1] =	sst s8  }
0x11: {  	[smem:$0x3FB2] =	sst s9;
	s0 =	simm.s32 @!p0 $0x0  }
0x12: {  	s1 =	sld [smem:$0x3F98];
	s0 =	simm.s32 @p0 $0x1  }
0x13: {  	[smem:$0x3FB3] =	sst s0;
	s0 =	simm.s32 @!p1 $0x0  }
0x14: {  	s2 =	sld [smem:$0x3F97];
	s0 =	simm.s32 @p1 $0x1  }
0x15: {  	[smem:$0x3FB4] =	sst s0;
	s0 =	simm.s32 @!p2 $0x0  }
0x16: {  	s3 =	sld [smem:$0x3FDB];
	s0 =	simm.s32 @p2 $0x1  }
0x17: {  	s4 =	simm.s32 $0x1BF5;
	[smem:$0x3FB6] =	sst s0  }
0x18: {  	s0 =	sld [smem:$0x3F99];
	_ =	swait.ge [sflag:s4], $0x0  }
0x19: {  	s7 =	sld [smem:$0x3F9A]  }
0x1a: {  	s8 =	sadd.s32 $0xFFFFE003, lr  }
0x1b: {  	s9 =	sadd.s32 $0xFFFFFEF7, lr;
	s5 =	simm.s32 $0xFFFFFFFF;
	p2 =	slt.u32 s8, $0xFFFFF086  }
0x1c: {  	p1 =	slt.u32 s9, $0xF7A;
	s5 =	simm.s32 @!p2 $0x0  }
0x1d: {  	s5 =	simm.s32 @p1 $0x1;
	p0 =	seq.s32 s7, s2  }
0x1e: {  	s7 =	smul.u32 @!p0 $0xF7A, s2;
	p2 =	seq.s32 @!p0 s5, $0x0  }
0x1f: {  	s9 =	smul.u32 $0xF7A, s1;
	s8 =	simm.s32 @!p0 $0x1BF5;
	p2 =	por !p2, p0  }
0x20: {  	[sflag:s8] =	ssyncset.s32 @!p0 $0xFFFFF086;
	s6 =	sadd.s32 @!p0 s3, s7;
	s7 =	simm.s32 @!p0 $0x108  }
0x21: {  	s3 =	sadd.s32 s3, s9;
	s6 =	sadd.s32 @!p0 $0x88, s6;
	s7 =	simm.s32 @p2 $0x1082  }
0x22: {  	[simem:s7], [sflag:s8] =	dma.local @!p0 [hbm:s6], $0xF7A  }
0x23: {  	s9 =	sor.u32 $0xD0000000, s2;
	s6 =	simm.s32 $0x108;
	_ =	swait.ge @!p0 [sflag:s8], $0x0  }
0x24: {  	s3 =	sadd.s32 $0x88, s3;
	s6 =	simm.s32 @!p1 $0x1082;
	[sflag:s4] =	ssyncset.s32 $0xFFFFF086  }
0x25: {  	[simem:s6], [sflag:s4] =	dma.local [hbm:s3], $0xF7A  }
0x26: {  	[smem:$0x3F9A] =	sst s1;
	(tag) =	ssettag s2;
	_ =	strace s9  }
0x27: {  	s1 =	sld [smem:$0x3FAA]  }
0x28: {  	s2 =	sld [smem:$0x3FAB]  }
0x29: {  	s4 =	sld [smem:$0x3FAD]  }
0x2a: {  	p0 =	seq.s32 s5, $0x0;
	s5 =	sld [smem:$0x3FAE]  }
0x2b: {  	s6 =	sld [smem:$0x3FAF]  }
0x2c: {  	s7 =	sld [smem:$0x3FB0]  }
0x2d: {  	s3 =	simm.s32 $0x108;
	s8 =	sld [smem:$0x3FB1]  }
0x2e: {  	s3 =	simm.s32 @!p0 $0x1082;
	s9 =	sld [smem:$0x3FB2]  }
0x2f: {  	lr =	sadd.s32 s0, s3;
	s0 =	sld [smem:$0x3FA9]  }
0x30: {  	s3 =	sld [smem:$0x3FAC]  }
0x31: {  	[smem:$0x3FB5] =	sst s10  }
0x32: {  	s10 =	sld [smem:$0x3FB3];
	_ =	sdelay $0x3  }
0x33: {  	p0 =	seq.s32 s10, $0x1;
	s10 =	sld [smem:$0x3FB5];
	_ =	sdelay $0x3  }
0x34: {  	[smem:$0x3FB5] =	sst s10  }
0x35: {  	s10 =	sld [smem:$0x3FB4];
	_ =	sdelay $0x3  }
0x36: {  	p1 =	seq.s32 s10, $0x1;
	s10 =	sld [smem:$0x3FB5];
	_ =	sdelay $0x3  }
0x37: {  	[smem:$0x3FB5] =	sst s10  }
0x38: {  	s10 =	sld [smem:$0x3FB6]  }
0x39: {  	_ = 	snop;
	(pc) =	sbr.ind lr, $3  }
0x3a: {  	_ = 	snop  }
0x3b: {  	_ = 	snop  }
0x3c: {  	p2 =	seq.s32 s10, $0x1;
	s10 =	sld [smem:$0x3FB5]  }
0x3d: {  	_ =	shalt  }
0x3e: {  	_ =	shalt  }
0x3f: {  	_ =	shalt  }
0x40: {  	_ =	shalt  }
0x41: {  	_ =	shalt  }
0x42: {  	_ =	shalt  }
0x43: {  	_ =	shalt  }
0x44: {  	_ =	shalt  }
0x45: {  	_ =	shalt  }
0x46: {  	_ =	shalt  }
0x47: {  	_ =	shalt  }
0x48: {  	_ =	shalt  }
0x49: {  	_ =	shalt  }
0x4a: {  	_ =	shalt  }
0x4b: {  	_ =	shalt  }
0x4c: {  	_ =	shalt  }
0x4d: {  	_ =	shalt  }
0x4e: {  	_ =	shalt  }
0x4f: {  	_ =	shalt  }
0x50: {  	_ =	shalt  }
0x51: {  	_ =	shalt  }
0x52: {  	_ =	shalt  }
0x53: {  	_ =	shalt  }
0x54: {  	_ =	shalt  }
0x55: {  	_ =	shalt  }
0x56: {  	_ =	shalt  }
0x57: {  	_ =	shalt  }
0x58: {  	_ =	shalt  }
0x59: {  	_ =	shalt  }
0x5a: {  	_ =	shalt  }
0x5b: {  	_ =	shalt  }
0x5c: {  	_ =	shalt  }
0x5d: {  	_ =	shalt  }
0x5e: {  	_ =	shalt  }
0x5f: {  	_ =	shalt  }
0x60: {  	_ =	shalt  }
0x61: {  	_ =	shalt  }
0x62: {  	_ =	shalt  }
0x63: {  	_ =	shalt  }
0x64: {  	_ =	shalt  }
0x65: {  	_ =	shalt  }
0x66: {  	_ =	shalt  }
0x67: {  	_ =	shalt  }
0x68: {  	_ =	shalt  }
0x69: {  	_ =	shalt  }
0x6a: {  	_ =	shalt  }
0x6b: {  	_ =	shalt  }
0x6c: {  	_ =	shalt  }
0x6d: {  	_ =	shalt  }
0x6e: {  	_ =	shalt  }
0x6f: {  	_ =	shalt  }
0x70: {  	_ =	shalt  }
0x71: {  	_ =	shalt  }
0x72: {  	_ =	shalt  }
0x73: {  	_ =	shalt  }
0x74: {  	_ =	shalt  }
0x75: {  	_ =	shalt  }
0x76: {  	_ =	shalt  }
0x77: {  	_ =	shalt  }
0x78: {  	_ =	shalt  }
0x79: {  	_ =	shalt  }
0x7a: {  	_ =	shalt  }
0x7b: {  	_ =	shalt  }
0x7c: {  	_ =	shalt  }
0x7d: {  	_ =	shalt  }
0x7e: {  	_ =	shalt  }
0x7f: {  	_ =	shalt  }
0x80: {  	_ =	shalt  }
0x81: {  	_ =	shalt  }
0x82: {  	_ =	shalt  }
0x83: {  	_ =	shalt  }
0x84: {  	_ =	shalt  }
0x85: {  	_ =	shalt  }
0x86: {  	_ =	shalt  }
0x87: {  	_ =	shalt  }
.Lfunc_end0:
.L_simem_size_0:
called_computation.1_lowered:
.L_overlay_start_0:
0x88: {  	s2 =	sld [smem:$0x3FD9]  }
0x89: {  	s3 =	sld [smem:$0x3FFE];
	_ =	sdelay $0x1  }
0x8a: {  	s1 =	srdreg.scid  }
0x8b: {  	s0 =	sand.u32 $0x1, s1  }
0x8c: {  	s16 =	sshll.u32 s0, $0xA;
	s2 =	sadd.s32 s3, s2  }
0x8d: {  	s2 =	sadd.s32 s2, s16  }
0x8e: {  	[smem:$0x3FC1] =	sst s2  }
0x8f: {  	_ = 	snop  }
0x90: {  	(tm) =	ssettm $0x1  }
0x91: {  	s17 =	sld [smem:$0x3FFB];
	_ =	sdelay $0x3  }
0x92: {  	_ =	strace s17  }
0x93: {  	s2 =	sld [smem:$0x3FFC];
	_ =	sdelay $0x3  }
0x94: {  	_ =	strace s2  }
0x95: {  	s2 =	sld [smem:$0x3FFD];
	_ =	sdelay $0x3  }
0x96: {  	_ =	strace s2  }
0x97: {  	_ =	strace $0x8FFFFFFF  }
0x98: {  	s18 =	sld [smem:$0x3FDB];
	_ =	sdelay $0x1  }
0x99: {  	s19 =	simm.s32 $_scs_section_size  }
0x9a: {  	s4 =	simm.s32 $_size__tile_overlayer_lowered;
	s5 =	simm.s32 $_tile_overlayer_lowered  }
0x9b: {  	s22 =	simm.s32 $0x1BFF;
	s21 =	sshll.u32 s5, $0x1;
	s2 =	sadd.s32 s19, s18  }
0x9c: {  	s6 =	simm.s32 $0x0;
	s20 =	sshll.u32 s4, $0x1;
	s4 =	sadd.s32 s21, s2  }
0x9d: {  	[timem:s6], [sflag:s22] =	dma.local [hbm:s4], s20  }
0x9e: {  	_ =	swait.ge [sflag:s22], s20  }
0x9f: {  	s3 =	ssub.s32 $0x0, s20;
	[sflag:s22] =	ssyncset.done $0x0  }
0xa0: {  	[sflag:s22] =	ssyncadd.s32 s3;
	_ =	sdelay $0x1  }
0xa1: {  	s23 =	simm.s32 $0x1B8B  }
0xa2: {  	_ =	swait.ge [sflag:s23], $0x1  }
0xa3: {  	[sflag:s23] =	ssyncset.done $0x0  }
0xa4: {  	s25 =	simm.s32 $0x1B8E;
	s24 =	sld [smem:$0x3FFE];
	[sflag:s23] =	ssyncadd.s32 $0xFFFFFFFF  }
0xa5: {  	s26 =	simm.s32 $execute0_lowered;
	[smem:$0x3FD2] =	sst s25  }
0xa6: {  	s4 =	sshll.u32 s26, $0x1;
	_ =	strace $0x80000049;
	[dreg:$0x1] =	wrdreg $0xFFFFFFFF  }
0xa7: {  	s28 =	simm.s32 $_size_execute0_lowered;
	s2 =	sadd.s32 s2, s4;
	[dreg:$0x0] =	wrdreg $0x0  }
0xa8: {  	s4 =	sshll.u32 s28, $0x1;
	[dreg:$0x2] =	wrdreg s2  }
0xa9: {  	[dreg:$0x3] =	wrdreg s4  }
0xaa: {  	[dreg:$0x4] =	wrdreg $0xC0  }
0xab: {  	_ =	task [dreg:s6], $0x5FFFF  }
0xac: {  	[dreg:$0x1] =	wrdreg $0xFFFFFFFF  }
0xad: {  	[dreg:$0x0] =	wrdreg $0x60  }
0xae: {  	[dreg:$0x2] =	wrdreg s24  }
0xaf: {  	[dreg:$0x3] =	wrdreg $0xA8000  }
0xb0: {  	[dreg:$0x4] =	wrdreg $0x9  }
0xb1: {  	_ =	task.clear_ibuf [dreg:s6], $0x5FFFF;
	_ =	strace $0x90000049  }
0xb2: {  	s29 =	simm.s32 $0x9;
	_ =	strace $0x8000004B  }
0xb3: {  	_ =	swait.ge [sflag:s29], $0x1  }
0xb4: {  	[sflag:s29] =	ssyncadd.s32 $0xFFFFFFFF  }
0xb5: {  	_ =	strace $0x9000004B  }
0xb6: {  	_ =	sfence  }
0xb7: {  	s30 =	sld [smem:$0x0];
	_ =	sdelay $0x2  }
0xb8: {  	s31 =	sshll.u32 s1, $0xD;
	s1 =	sshrl.u32 s1, $0x2  }
0xb9: {  	s3 =	sand.u32 $0x4000, s31;
	s1 =	sadd.s32 s1, s30  }
0xba: {  	s0 =	sor.u32 s3, s0;
	s1 =	sshll.u32 s1, $0x11  }
0xbb: {  	s0 =	sor.u32 s1, s0  }
0xbc: {  	s0 =	sadd.s32 $0x8F2B, s0  }
0xbd: {  	[sflag:s0] =	ssyncadd.remote.s32 $0x1  }
0xbe: {  	_ =	sfence.sel $0xFFFF  }
0xbf: {  	[dreg:$0x0] =	wrdreg $0xFFFFFFFF;
	(pc) =	sbr.abs _section_cstart, $3  }
0xc0: {  	[dreg:$0x1] =	wrdreg $0xFFFFFFFF  }
0xc1: {  	_ =	task.clear_ibuf [dreg:s6], $0x2FFFF;
	_ =	strace $0x9FFFFFFF  }
0xc2: {  	(tm) =	ssettm $0x7FFFFFFF  }
0xc3: {  	_ =	shalt  }
tec
execute0_lowered:
.L_overlay_start_1:
0x0: {  	(tag) =	ssettag $0x1  }
0x1: {  	s5 =	rddreg [dreg:$0x0]  }
0x2: {  	s1 =	rddreg [dreg:$0x1]  }
0x3: {  	s0 =	rddreg [dreg:$0x2];
	s3 =	simm.s32 $0x0;
	s4 =	srdreg.scid  }
0x4: {  	s2 =	stileid.u32;
	s14 =	simm.s32 $0x50;
	s15 =	simm.s32 $0x8000  }
0x5: {  	s16 =	simm.s32 $0x1;
	s17 =	simm.s32 $0x0;
	[smem:$0x7FF] =	sst s3  }
0x6: {  	s6 =	sand.u32 $0x1, s4;
	s7 =	sshll.u32 s2, $0xB;
	s8 =	smul.u32 $0x14000, s2  }
0x7: {  	s29 =	smul.u32 $0x50000, s2;
	s31 =	sshll.u32 s2, $0x6;
	s4 =	sshll.u32 s6, $0xF  }
0x8: {  	_ =	strace $0x8000004A;
	s9 =	smul.u32 $0x140000, s6;
	s6 =	ssub.s32 $0x2, s6  }
0x9: {  	s7 =	sor.u32 s7, s4;
	s4 =	sadd.s32 $0x4BE00, s5;
	s28 =	sshrl.u32 s8, $0x3  }
0xa: {  	s11 =	sshrl.u32 s6, $0x1;
	s30 =	sshrl.u32 s29, $0x2;
	s10 =	sadd.s32 s7, s5  }
0xb: {  	s8 =	sadd.s32 s8, s9;
	s7 =	sadd.s32 s28, s5;
	s11 =	ssub.s32 s6, s11  }
0xc: {  	s13 =	sadd.s32 s30, s1;
	s6 =	sor.u32 $0x1C02, s31;
	s8 =	sshrl.u32 s8, $0x3  }
0xd: {  	s12 =	sadd.s32 s8, s5;
	s5 =	sadd.s32 $0x23E00, s7;
	s7 =	sadd.s32 $0x3E00, s10  }
0xe: {  	s8 =	sadd.s32 $0x13E00, s10;
	s10 =	smax.u32 s11, $0x1;
	s11 =	sshrl.u32 s13, $0x3  }
0xf: {  	s13 =	simm.s32 $0x4000;
	s9 =	sadd.s32 $0x73000, s12;
	s12 =	simm.s32 $0x2  }
.LBB2_1:
0x10: {  	[spmem:s11], [sflag:s6] =	dma.local [hbm:s5], $0x2800  }
0x11: {  	_ =	swait.ge [sflag:s12], $0x2800  }
0x12: {  	[sflag:s12] =	ssyncset.done $0x0  }
0x13: {  	[sflag:s12] =	ssyncadd.s32 $0xFFFFD800  }
0x14: {  	[tilespmem:s3], [sflag:$0x2] =	stream.linear.gather [hbm4b:s7+s3], $0x3E80, $0x38;
	[tilespmem:$0x1E800] =	vst v63  }
0x15: {  	_ =	swait.ge [sflag:s12], $0x3E80  }
0x16: {  	[sflag:s12] =	ssyncset.done $0x0  }
0x17: {  	[sflag:s12] =	ssyncadd.s32 $0xFFFFC180  }
0x18: {  	[tilespmem:s13], [sflag:$0x2] =	stream.linear.gather [hbm4b:s8+s3], $0x3E80, $0x38;
	[tilespmem:$0x1E800] =	vst v63  }
0x19: {  	_ =	swait.ge [sflag:s12], $0x3E80  }
0x1a: {  	[sflag:s12] =	ssyncset.done $0x0  }
0x1b: {  	[sflag:s12] =	ssyncadd.s32 $0xFFFFC180  }
0x1c: {  	s18 =	simm.s32 $0x0;
	[bflag:$0x0] =	sbarrier.arrive $0xFFFF  }
0x1d: {  	[tilespmem:s15], [sflag:$0x1] =	stream.indirect.gather [hbm4b:s4+s14], $0x80, s18, s14, $0xb8;
	[tilespmem:$0x1E800] =	vst v63  }
0x1e: {  	_ =	swait.ge [sflag:s16], $0x2800  }
0x1f: {  	[sflag:s16] =	ssyncset.done $0x0  }
0x20: {  	s31 =	simm.s32 $0x4000;
	[sflag:s16] =	ssyncadd.s32 $0xFFFFD800  }
0x21: {  	[spmem:s1] =	stream.indirect.scatter.add.f32 [tilespmem:s15], [sflag:$0x2], $0x80, s31, s14, $0xb8;
	[tilespmem:$0x1E800] =	vst v63  }
0x22: {  	_ =	swait.ge [sflag:s12], $0x2800  }
0x23: {  	s19 =	simm.s32 $0x400;
	s18 =	simm.s32 $0x200;
	[sflag:s12] =	ssyncset.done $0x0  }
.LBB2_2:
0x24: {  	s20 =	sshra.s32 s18, $0x2  }
0x25: {  	[sflag:s12] =	ssyncadd.s32 $0xFFFFD800;
	s18 =	smov.u32 s19;
	s21 =	sadd.s32 $0x200, s19  }
0x26: {  	[tilespmem:s15], [sflag:$0x1] =	stream.indirect.gather [hbm4b:s4+s14], $0x80, s20, s14, $0xb8;
	[tilespmem:$0x1E800] =	vst v63  }
0x27: {  	p0 =	sne.s32 s19, $0xF800;
	_ =	swait.ge [sflag:s16], $0x2800  }
.Ltmp0:
0x28: {  	[sflag:s16] =	ssyncset.done $0x0;
	(pc) =	sbr.rel @p0 .LBB2_2-.Ltmp0, $4  }
0x29: {  	s19 =	sadd.s32 $0x4000, s20;
	[sflag:s16] =	ssyncadd.s32 $0xFFFFD800  }
0x2a: {  	[spmem:s1] =	stream.indirect.scatter.add.f32 [tilespmem:s15], [sflag:$0x2], $0x80, s19, s14, $0xb8;
	[tilespmem:$0x1E800] =	vst v63  }
0x2b: {  	_ =	swait.ge [sflag:s12], $0x2800  }
0x2c: {  	s19 =	smov.u32 s21;
	[sflag:s12] =	ssyncset.done $0x0  }
0x2d: {  	s18 =	sshra.s32 s18, $0x2;
	[sflag:s12] =	ssyncadd.s32 $0xFFFFD800  }
0x2e: {  	[tilespmem:s15], [sflag:$0x1] =	stream.indirect.gather [hbm4b:s4+s14], $0x80, s18, s14, $0xb8;
	[tilespmem:$0x1E800] =	vst v63  }
0x2f: {  	_ =	swait.ge [sflag:s16], $0x2800  }
0x30: {  	[sflag:s16] =	ssyncset.done $0x0  }
0x31: {  	s18 =	sadd.s32 $0x4000, s18;
	[sflag:s16] =	ssyncadd.s32 $0xFFFFD800  }
0x32: {  	[spmem:s1] =	stream.indirect.scatter.add.f32 [tilespmem:s15], [sflag:$0x2], $0x80, s18, s14, $0xb8;
	[tilespmem:$0x1E800] =	vst v63  }
0x33: {  	_ =	swait.ge [sflag:s12], $0x2800  }
0x34: {  	s17 =	sadd.s32 $0x1, s17;
	[sflag:s12] =	ssyncset.done $0x0  }
0x35: {  	p0 =	sne.s32 s17, s10;
	[sflag:s12] =	ssyncadd.s32 $0xFFFFD800  }
.Ltmp1:
0x36: {  	[bflag:$0x0] =	sbarrier.arrive $0xFFFF;
	(pc) =	sbr.rel @p0 .LBB2_1-.Ltmp1, $4  }
0x37: {  	[hbm:s9], [sflag:s6] =	dma.local [spmem:s11], $0x2800  }
0x38: {  	_ =	swait.ge [sflag:s12], $0x2800  }
0x39: {  	[sflag:s12] =	ssyncset.done $0x0  }
0x3a: {  	[sflag:s12] =	ssyncadd.s32 $0xFFFFD800  }
0x3b: {  	_ =	sfence.sel $0x180000  }
0x3c: {  	[bflag:$0x0] =	sbarrier.arrive $0xFFFF  }
0x3d: {  	p0 =	sne.s32 s2, $0x0;
	_ =	strace $0x9000004A  }
0x3e: {  	s0 =	sadd.s32 @!p0 $0x100000, s0;
	[bflag:$0x2] =	sbarrier.arrive $0xFFFF  }
0x3f: {  	[sflag:s0] =	ssyncadd.tile.s32 @!p0 $0x1;
	_ =	shalt  }
.Lfunc_end2:
_tile_overlayer_lowered:
.L_overlay_start_2:
0x40: {  	(tag) =	ssettag $0x2  }
0x41: {  	s0 =	rddreg [dreg:$0x0];
	s2 =	stileid.u32  }
0x42: {  	s1 =	rddreg [dreg:$0x1];
	p0 =	sne.s32 s2, $0x0  }
0x43: {  	s3 =	rddreg [dreg:$0x2];
	[bflag:$0x3] =	sbarrier.arrive $0xFFFF;
	s2 =	simm.s32 @!p0 $0x1C02  }
0x44: {  	[timem:s3], [sflag:s2] =	dma.local @!p0 [hbm:s0], s1  }
0x45: {  	s0 =	simm.s32 @!p0 $0x2  }
0x46: {  	_ =	swait.ge @!p0 [sflag:s0], s1  }
0x47: {  	s1 =	ssub.s32 @!p0 $0x0, s1;
	[sflag:s0] =	ssyncset.done @!p0 $0x0  }
0x48: {  	[sflag:s0] =	ssyncadd.s32 @!p0 s1  }
0x49: {  	[bflag:$0x3] =	sbarrier.arrive $0xFFFF  }
0x4a: {  	_ =	shalt  }

// kernel: kernel.17.cloned.1.call-start
scs
__scs_entry_jumppad:
0x0: {  	(pc) =	sbr.rel $0x88, $3  }
0x1: {  	(tag) =	ssettag $0x0;
	lr =	simm.s32 $0x1  }
0x2: {  	[smem:$0x3F9A] =	sst lr;
	_ =	strace $0xD0000000  }
0x3: {  	_ = 	snop  }
0x4: {  	_ = 	snop  }
0x5: {  	_ = 	snop  }
0x6: {  	_ = 	snop  }
0x7: {  	_ = 	snop  }
__scs_overlays_trampoline_lowered:
0x8: {  	[smem:$0x3FA9] =	sst s0  }
0x9: {  	[smem:$0x3FAA] =	sst s1  }
0xa: {  	[smem:$0x3FAB] =	sst s2  }
0xb: {  	[smem:$0x3FAC] =	sst s3  }
0xc: {  	[smem:$0x3FAD] =	sst s4  }
0xd: {  	[smem:$0x3FAE] =	sst s5  }
0xe: {  	[smem:$0x3FAF] =	sst s6  }
0xf: {  	[smem:$0x3FB0] =	sst s7  }
0x10: {  	[smem:$0x3FB1] =	sst s8  }
0x11: {  	[smem:$0x3FB2] =	sst s9;
	s0 =	simm.s32 @!p0 $0x0  }
0x12: {  	s1 =	sld [smem:$0x3F98];
	s0 =	simm.s32 @p0 $0x1  }
0x13: {  	[smem:$0x3FB3] =	sst s0;
	s0 =	simm.s32 @!p1 $0x0  }
0x14: {  	s2 =	sld [smem:$0x3F97];
	s0 =	simm.s32 @p1 $0x1  }
0x15: {  	[smem:$0x3FB4] =	sst s0;
	s0 =	simm.s32 @!p2 $0x0  }
0x16: {  	s3 =	sld [smem:$0x3FDB];
	s0 =	simm.s32 @p2 $0x1  }
0x17: {  	s4 =	simm.s32 $0x1BF5;
	[smem:$0x3FB6] =	sst s0  }
0x18: {  	s0 =	sld [smem:$0x3F99];
	_ =	swait.ge [sflag:s4], $0x0  }
0x19: {  	s7 =	sld [smem:$0x3F9A]  }
0x1a: {  	s8 =	sadd.s32 $0xFFFFE003, lr  }
0x1b: {  	s9 =	sadd.s32 $0xFFFFFEF7, lr;
	s5 =	simm.s32 $0xFFFFFFFF;
	p2 =	slt.u32 s8, $0xFFFFF086  }
0x1c: {  	p1 =	slt.u32 s9, $0xF7A;
	s5 =	simm.s32 @!p2 $0x0  }
0x1d: {  	s5 =	simm.s32 @p1 $0x1;
	p0 =	seq.s32 s7, s2  }
0x1e: {  	s7 =	smul.u32 @!p0 $0xF7A, s2;
	p2 =	seq.s32 @!p0 s5, $0x0  }
0x1f: {  	s9 =	smul.u32 $0xF7A, s1;
	s8 =	simm.s32 @!p0 $0x1BF5;
	p2 =	por !p2, p0  }
0x20: {  	[sflag:s8] =	ssyncset.s32 @!p0 $0xFFFFF086;
	s6 =	sadd.s32 @!p0 s3, s7;
	s7 =	simm.s32 @!p0 $0x108  }
0x21: {  	s3 =	sadd.s32 s3, s9;
	s6 =	sadd.s32 @!p0 $0x88, s6;
	s7 =	simm.s32 @p2 $0x1082  }
0x22: {  	[simem:s7], [sflag:s8] =	dma.local @!p0 [hbm:s6], $0xF7A  }
0x23: {  	s9 =	sor.u32 $0xD0000000, s2;
	s6 =	simm.s32 $0x108;
	_ =	swait.ge @!p0 [sflag:s8], $0x0  }
0x24: {  	s3 =	sadd.s32 $0x88, s3;
	s6 =	simm.s32 @!p1 $0x1082;
	[sflag:s4] =	ssyncset.s32 $0xFFFFF086  }
0x25: {  	[simem:s6], [sflag:s4] =	dma.local [hbm:s3], $0xF7A  }
0x26: {  	[smem:$0x3F9A] =	sst s1;
	(tag) =	ssettag s2;
	_ =	strace s9  }
0x27: {  	s1 =	sld [smem:$0x3FAA]  }
0x28: {  	s2 =	sld [smem:$0x3FAB]  }
0x29: {  	s4 =	sld [smem:$0x3FAD]  }
0x2a: {  	p0 =	seq.s32 s5, $0x0;
	s5 =	sld [smem:$0x3FAE]  }
0x2b: {  	s6 =	sld [smem:$0x3FAF]  }
0x2c: {  	s7 =	sld [smem:$0x3FB0]  }
0x2d: {  	s3 =	simm.s32 $0x108;
	s8 =	sld [smem:$0x3FB1]  }
0x2e: {  	s3 =	simm.s32 @!p0 $0x1082;
	s9 =	sld [smem:$0x3FB2]  }
0x2f: {  	lr =	sadd.s32 s0, s3;
	s0 =	sld [smem:$0x3FA9]  }
0x30: {  	s3 =	sld [smem:$0x3FAC]  }
0x31: {  	[smem:$0x3FB5] =	sst s10  }
0x32: {  	s10 =	sld [smem:$0x3FB3];
	_ =	sdelay $0x3  }
0x33: {  	p0 =	seq.s32 s10, $0x1;
	s10 =	sld [smem:$0x3FB5];
	_ =	sdelay $0x3  }
0x34: {  	[smem:$0x3FB5] =	sst s10  }
0x35: {  	s10 =	sld [smem:$0x3FB4];
	_ =	sdelay $0x3  }
0x36: {  	p1 =	seq.s32 s10, $0x1;
	s10 =	sld [smem:$0x3FB5];
	_ =	sdelay $0x3  }
0x37: {  	[smem:$0x3FB5] =	sst s10  }
0x38: {  	s10 =	sld [smem:$0x3FB6]  }
0x39: {  	_ = 	snop;
	(pc) =	sbr.ind lr, $3  }
0x3a: {  	_ = 	snop  }
0x3b: {  	_ = 	snop  }
0x3c: {  	p2 =	seq.s32 s10, $0x1;
	s10 =	sld [smem:$0x3FB5]  }
0x3d: {  	_ =	shalt  }
0x3e: {  	_ =	shalt  }
0x3f: {  	_ =	shalt  }
0x40: {  	_ =	shalt  }
0x41: {  	_ =	shalt  }
0x42: {  	_ =	shalt  }
0x43: {  	_ =	shalt  }
0x44: {  	_ =	shalt  }
0x45: {  	_ =	shalt  }
0x46: {  	_ =	shalt  }
0x47: {  	_ =	shalt  }
0x48: {  	_ =	shalt  }
0x49: {  	_ =	shalt  }
0x4a: {  	_ =	shalt  }
0x4b: {  	_ =	shalt  }
0x4c: {  	_ =	shalt  }
0x4d: {  	_ =	shalt  }
0x4e: {  	_ =	shalt  }
0x4f: {  	_ =	shalt  }
0x50: {  	_ =	shalt  }
0x51: {  	_ =	shalt  }
0x52: {  	_ =	shalt  }
0x53: {  	_ =	shalt  }
0x54: {  	_ =	shalt  }
0x55: {  	_ =	shalt  }
0x56: {  	_ =	shalt  }
0x57: {  	_ =	shalt  }
0x58: {  	_ =	shalt  }
0x59: {  	_ =	shalt  }
0x5a: {  	_ =	shalt  }
0x5b: {  	_ =	shalt  }
0x5c: {  	_ =	shalt  }
0x5d: {  	_ =	shalt  }
0x5e: {  	_ =	shalt  }
0x5f: {  	_ =	shalt  }
0x60: {  	_ =	shalt  }
0x61: {  	_ =	shalt  }
0x62: {  	_ =	shalt  }
0x63: {  	_ =	shalt  }
0x64: {  	_ =	shalt  }
0x65: {  	_ =	shalt  }
0x66: {  	_ =	shalt  }
0x67: {  	_ =	shalt  }
0x68: {  	_ =	shalt  }
0x69: {  	_ =	shalt  }
0x6a: {  	_ =	shalt  }
0x6b: {  	_ =	shalt  }
0x6c: {  	_ =	shalt  }
0x6d: {  	_ =	shalt  }
0x6e: {  	_ =	shalt  }
0x6f: {  	_ =	shalt  }
0x70: {  	_ =	shalt  }
0x71: {  	_ =	shalt  }
0x72: {  	_ =	shalt  }
0x73: {  	_ =	shalt  }
0x74: {  	_ =	shalt  }
0x75: {  	_ =	shalt  }
0x76: {  	_ =	shalt  }
0x77: {  	_ =	shalt  }
0x78: {  	_ =	shalt  }
0x79: {  	_ =	shalt  }
0x7a: {  	_ =	shalt  }
0x7b: {  	_ =	shalt  }
0x7c: {  	_ =	shalt  }
0x7d: {  	_ =	shalt  }
0x7e: {  	_ =	shalt  }
0x7f: {  	_ =	shalt  }
0x80: {  	_ =	shalt  }
0x81: {  	_ =	shalt  }
0x82: {  	_ =	shalt  }
0x83: {  	_ =	shalt  }
0x84: {  	_ =	shalt  }
0x85: {  	_ =	shalt  }
0x86: {  	_ =	shalt  }
0x87: {  	_ =	shalt  }
.Lfunc_end0:
.L_simem_size_0:
called_computation.2_lowered:
.L_overlay_start_0:
0x88: {  	s2 =	sld [smem:$0x3FD9]  }
0x89: {  	s3 =	sld [smem:$0x3FFE];
	_ =	sdelay $0x1  }
0x8a: {  	s1 =	srdreg.scid  }
0x8b: {  	s0 =	sand.u32 $0x1, s1  }
0x8c: {  	s16 =	sshll.u32 s0, $0xA;
	s2 =	sadd.s32 s3, s2  }
0x8d: {  	s2 =	sadd.s32 s2, s16  }
0x8e: {  	[smem:$0x3FC1] =	sst s2  }
0x8f: {  	_ = 	snop  }
0x90: {  	(tm) =	ssettm $0x1  }
0x91: {  	s17 =	sld [smem:$0x3FFB];
	_ =	sdelay $0x3  }
0x92: {  	_ =	strace s17  }
0x93: {  	s2 =	sld [smem:$0x3FFC];
	_ =	sdelay $0x3  }
0x94: {  	_ =	strace s2  }
0x95: {  	s2 =	sld [smem:$0x3FFD];
	_ =	sdelay $0x3  }
0x96: {  	_ =	strace s2  }
0x97: {  	_ =	strace $0x8FFFFFFF  }
0x98: {  	s18 =	sld [smem:$0x3FDB];
	_ =	sdelay $0x1  }
0x99: {  	s19 =	simm.s32 $_scs_section_size  }
0x9a: {  	s4 =	simm.s32 $_size__tile_overlayer_lowered;
	s5 =	simm.s32 $_tile_overlayer_lowered  }
0x9b: {  	s22 =	simm.s32 $0x1BFF;
	s21 =	sshll.u32 s5, $0x1;
	s2 =	sadd.s32 s19, s18  }
0x9c: {  	s6 =	simm.s32 $0x0;
	s20 =	sshll.u32 s4, $0x1;
	s4 =	sadd.s32 s21, s2  }
0x9d: {  	[timem:s6], [sflag:s22] =	dma.local [hbm:s4], s20  }
0x9e: {  	_ =	swait.ge [sflag:s22], s20  }
0x9f: {  	s3 =	ssub.s32 $0x0, s20;
	[sflag:s22] =	ssyncset.done $0x0  }
0xa0: {  	[sflag:s22] =	ssyncadd.s32 s3;
	_ =	sdelay $0x1  }
0xa1: {  	s23 =	simm.s32 $0x1B8B  }
0xa2: {  	_ =	swait.ge [sflag:s23], $0x1  }
0xa3: {  	[sflag:s23] =	ssyncset.done $0x0  }
0xa4: {  	s25 =	simm.s32 $0x1B8E;
	s24 =	sld [smem:$0x3FFE];
	[sflag:s23] =	ssyncadd.s32 $0xFFFFFFFF  }
0xa5: {  	s26 =	simm.s32 $execute0_lowered;
	[smem:$0x3FD2] =	sst s25  }
0xa6: {  	s4 =	sshll.u32 s26, $0x1;
	_ =	strace $0x8000004C;
	[dreg:$0x1] =	wrdreg $0xFFFFFFFF  }
0xa7: {  	s28 =	simm.s32 $_size_execute0_lowered;
	s2 =	sadd.s32 s2, s4;
	[dreg:$0x0] =	wrdreg $0x0  }
0xa8: {  	s4 =	sshll.u32 s28, $0x1;
	[dreg:$0x2] =	wrdreg s2  }
0xa9: {  	[dreg:$0x3] =	wrdreg s4  }
0xaa: {  	[dreg:$0x4] =	wrdreg $0xC0  }
0xab: {  	_ =	task [dreg:s6], $0x5FFFF  }
0xac: {  	[dreg:$0x1] =	wrdreg $0xFFFFFFFF  }
0xad: {  	[dreg:$0x0] =	wrdreg $0x60  }
0xae: {  	[dreg:$0x2] =	wrdreg s24  }
0xaf: {  	[dreg:$0x3] =	wrdreg $0xA8000  }
0xb0: {  	[dreg:$0x4] =	wrdreg $0x9  }
0xb1: {  	_ =	task.clear_ibuf [dreg:s6], $0x5FFFF;
	_ =	strace $0x9000004C  }
0xb2: {  	s29 =	simm.s32 $0x9;
	_ =	strace $0x8000004E  }
0xb3: {  	_ =	swait.ge [sflag:s29], $0x1  }
0xb4: {  	[sflag:s29] =	ssyncadd.s32 $0xFFFFFFFF  }
0xb5: {  	_ =	strace $0x9000004E  }
0xb6: {  	_ =	sfence  }
0xb7: {  	s30 =	sld [smem:$0x0];
	_ =	sdelay $0x2  }
0xb8: {  	s31 =	sshll.u32 s1, $0xD;
	s1 =	sshrl.u32 s1, $0x2  }
0xb9: {  	s3 =	sand.u32 $0x4000, s31;
	s1 =	sadd.s32 s1, s30  }
0xba: {  	s0 =	sor.u32 s3, s0;
	s1 =	sshll.u32 s1, $0x11  }
0xbb: {  	s0 =	sor.u32 s1, s0  }
0xbc: {  	s0 =	sadd.s32 $0x8F2B, s0  }
0xbd: {  	[sflag:s0] =	ssyncadd.remote.s32 $0x1  }
0xbe: {  	_ =	sfence.sel $0xFFFF  }
0xbf: {  	[dreg:$0x0] =	wrdreg $0xFFFFFFFF;
	(pc) =	sbr.abs _section_cstart, $3  }
0xc0: {  	[dreg:$0x1] =	wrdreg $0xFFFFFFFF  }
0xc1: {  	_ =	task.clear_ibuf [dreg:s6], $0x2FFFF;
	_ =	strace $0x9FFFFFFF  }
0xc2: {  	(tm) =	ssettm $0x7FFFFFFF  }
0xc3: {  	_ =	shalt  }
tec
execute0_lowered:
.L_overlay_start_1:
0x0: {  	(tag) =	ssettag $0x1  }
0x1: {  	s5 =	rddreg [dreg:$0x0]  }
0x2: {  	s1 =	rddreg [dreg:$0x1]  }
0x3: {  	s0 =	rddreg [dreg:$0x2];
	s3 =	simm.s32 $0x0;
	s4 =	srdreg.scid  }
0x4: {  	s2 =	stileid.u32;
	s14 =	simm.s32 $0x50;
	s15 =	simm.s32 $0x8000  }
0x5: {  	s16 =	simm.s32 $0x1;
	s17 =	simm.s32 $0x0;
	[smem:$0x7FF] =	sst s3  }
0x6: {  	s6 =	sand.u32 $0x1, s4;
	s7 =	sshll.u32 s2, $0xB;
	s8 =	smul.u32 $0x14000, s2  }
0x7: {  	s29 =	smul.u32 $0x50000, s2;
	s31 =	sshll.u32 s2, $0x6;
	s4 =	sshll.u32 s6, $0xF  }
0x8: {  	_ =	strace $0x8000004D;
	s9 =	smul.u32 $0x140000, s6;
	s6 =	ssub.s32 $0x2, s6  }
0x9: {  	s7 =	sor.u32 s7, s4;
	s4 =	sadd.s32 $0x4BE00, s5;
	s28 =	sshrl.u32 s8, $0x3  }
0xa: {  	s11 =	sshrl.u32 s6, $0x1;
	s30 =	sshrl.u32 s29, $0x2;
	s10 =	sadd.s32 s7, s5  }
0xb: {  	s8 =	sadd.s32 s8, s9;
	s7 =	sadd.s32 s28, s5;
	s11 =	ssub.s32 s6, s11  }
0xc: {  	s13 =	sadd.s32 s30, s1;
	s6 =	sor.u32 $0x1C02, s31;
	s8 =	sshrl.u32 s8, $0x3  }
0xd: {  	s12 =	sadd.s32 s8, s5;
	s5 =	sadd.s32 $0x23E00, s7;
	s7 =	sadd.s32 $0x3E00, s10  }
0xe: {  	s8 =	sadd.s32 $0x13E00, s10;
	s10 =	smax.u32 s11, $0x1;
	s11 =	sshrl.u32 s13, $0x3  }
0xf: {  	s13 =	simm.s32 $0x4000;
	s9 =	sadd.s32 $0x73000, s12;
	s12 =	simm.s32 $0x2  }
.LBB2_1:
0x10: {  	[spmem:s11], [sflag:s6] =	dma.local [hbm:s5], $0x2800  }
0x11: {  	_ =	swait.ge [sflag:s12], $0x2800  }
0x12: {  	[sflag:s12] =	ssyncset.done $0x0  }
0x13: {  	[sflag:s12] =	ssyncadd.s32 $0xFFFFD800  }
0x14: {  	[tilespmem:s3], [sflag:$0x2] =	stream.linear.gather [hbm4b:s7+s3], $0x3E80, $0x38;
	[tilespmem:$0x1E800] =	vst v63  }
0x15: {  	_ =	swait.ge [sflag:s12], $0x3E80  }
0x16: {  	[sflag:s12] =	ssyncset.done $0x0  }
0x17: {  	[sflag:s12] =	ssyncadd.s32 $0xFFFFC180  }
0x18: {  	[tilespmem:s13], [sflag:$0x2] =	stream.linear.gather [hbm4b:s8+s3], $0x3E80, $0x38;
	[tilespmem:$0x1E800] =	vst v63  }
0x19: {  	_ =	swait.ge [sflag:s12], $0x3E80  }
0x1a: {  	[sflag:s12] =	ssyncset.done $0x0  }
0x1b: {  	[sflag:s12] =	ssyncadd.s32 $0xFFFFC180  }
0x1c: {  	s18 =	simm.s32 $0x0;
	[bflag:$0x0] =	sbarrier.arrive $0xFFFF  }
0x1d: {  	[tilespmem:s15], [sflag:$0x1] =	stream.indirect.gather [hbm4b:s4+s14], $0x80, s18, s14, $0xb8;
	[tilespmem:$0x1E800] =	vst v63  }
0x1e: {  	_ =	swait.ge [sflag:s16], $0x2800  }
0x1f: {  	[sflag:s16] =	ssyncset.done $0x0  }
0x20: {  	s31 =	simm.s32 $0x4000;
	[sflag:s16] =	ssyncadd.s32 $0xFFFFD800  }
0x21: {  	[spmem:s1] =	stream.indirect.scatter.add.f32 [tilespmem:s15], [sflag:$0x2], $0x80, s31, s14, $0xb8;
	[tilespmem:$0x1E800] =	vst v63  }
0x22: {  	_ =	swait.ge [sflag:s12], $0x2800  }
0x23: {  	s19 =	simm.s32 $0x400;
	s18 =	simm.s32 $0x200;
	[sflag:s12] =	ssyncset.done $0x0  }
.LBB2_2:
0x24: {  	s20 =	sshra.s32 s18, $0x2  }
0x25: {  	[sflag:s12] =	ssyncadd.s32 $0xFFFFD800;
	s18 =	smov.u32 s19;
	s21 =	sadd.s32 $0x200, s19  }
0x26: {  	[tilespmem:s15], [sflag:$0x1] =	stream.indirect.gather [hbm4b:s4+s14], $0x80, s20, s14, $0xb8;
	[tilespmem:$0x1E800] =	vst v63  }
0x27: {  	p0 =	sne.s32 s19, $0xF800;
	_ =	swait.ge [sflag:s16], $0x2800  }
.Ltmp0:
0x28: {  	[sflag:s16] =	ssyncset.done $0x0;
	(pc) =	sbr.rel @p0 .LBB2_2-.Ltmp0, $4  }
0x29: {  	s19 =	sadd.s32 $0x4000, s20;
	[sflag:s16] =	ssyncadd.s32 $0xFFFFD800  }
0x2a: {  	[spmem:s1] =	stream.indirect.scatter.add.f32 [tilespmem:s15], [sflag:$0x2], $0x80, s19, s14, $0xb8;
	[tilespmem:$0x1E800] =	vst v63  }
0x2b: {  	_ =	swait.ge [sflag:s12], $0x2800  }
0x2c: {  	s19 =	smov.u32 s21;
	[sflag:s12] =	ssyncset.done $0x0  }
0x2d: {  	s18 =	sshra.s32 s18, $0x2;
	[sflag:s12] =	ssyncadd.s32 $0xFFFFD800  }
0x2e: {  	[tilespmem:s15], [sflag:$0x1] =	stream.indirect.gather [hbm4b:s4+s14], $0x80, s18, s14, $0xb8;
	[tilespmem:$0x1E800] =	vst v63  }
0x2f: {  	_ =	swait.ge [sflag:s16], $0x2800  }
0x30: {  	[sflag:s16] =	ssyncset.done $0x0  }
0x31: {  	s18 =	sadd.s32 $0x4000, s18;
	[sflag:s16] =	ssyncadd.s32 $0xFFFFD800  }
0x32: {  	[spmem:s1] =	stream.indirect.scatter.add.f32 [tilespmem:s15], [sflag:$0x2], $0x80, s18, s14, $0xb8;
	[tilespmem:$0x1E800] =	vst v63  }
0x33: {  	_ =	swait.ge [sflag:s12], $0x2800  }
0x34: {  	s17 =	sadd.s32 $0x1, s17;
	[sflag:s12] =	ssyncset.done $0x0  }
0x35: {  	p0 =	sne.s32 s17, s10;
	[sflag:s12] =	ssyncadd.s32 $0xFFFFD800  }
.Ltmp1:
0x36: {  	[bflag:$0x0] =	sbarrier.arrive $0xFFFF;
	(pc) =	sbr.rel @p0 .LBB2_1-.Ltmp1, $4  }
0x37: {  	[hbm:s9], [sflag:s6] =	dma.local [spmem:s11], $0x2800  }
0x38: {  	_ =	swait.ge [sflag:s12], $0x2800  }
0x39: {  	[sflag:s12] =	ssyncset.done $0x0  }
0x3a: {  	[sflag:s12] =	ssyncadd.s32 $0xFFFFD800  }
0x3b: {  	_ =	sfence.sel $0x180000  }
0x3c: {  	[bflag:$0x0] =	sbarrier.arrive $0xFFFF  }
0x3d: {  	p0 =	sne.s32 s2, $0x0;
	_ =	strace $0x9000004D  }
0x3e: {  	s0 =	sadd.s32 @!p0 $0x100000, s0;
	[bflag:$0x2] =	sbarrier.arrive $0xFFFF  }
0x3f: {  	[sflag:s0] =	ssyncadd.tile.s32 @!p0 $0x1;
	_ =	shalt  }
.Lfunc_end2:
_tile_overlayer_lowered:
.L_overlay_start_2:
0x40: {  	(tag) =	ssettag $0x2  }
0x41: {  	s0 =	rddreg [dreg:$0x0];
	s2 =	stileid.u32  }
0x42: {  	s1 =	rddreg [dreg:$0x1];
	p0 =	sne.s32 s2, $0x0  }
0x43: {  	s3 =	rddreg [dreg:$0x2];
	[bflag:$0x3] =	sbarrier.arrive $0xFFFF;
	s2 =	simm.s32 @!p0 $0x1C02  }
0x44: {  	[timem:s3], [sflag:s2] =	dma.local @!p0 [hbm:s0], s1  }
0x45: {  	s0 =	simm.s32 @!p0 $0x2  }
0x46: {  	_ =	swait.ge @!p0 [sflag:s0], s1  }
0x47: {  	s1 =	ssub.s32 @!p0 $0x0, s1;
	[sflag:s0] =	ssyncset.done @!p0 $0x0  }
0x48: {  	[sflag:s0] =	ssyncadd.s32 @!p0 s1  }
0x49: {  	[bflag:$0x3] =	sbarrier.arrive $0xFFFF  }
0x4a: {  	_ =	shalt  }

// kernel: kernel.20.cloned.1.call-start
scs
__scs_entry_jumppad:
0x0: {  	(pc) =	sbr.rel $0x88, $3  }
0x1: {  	(tag) =	ssettag $0x0;
	lr =	simm.s32 $0x1  }
0x2: {  	[smem:$0x3F9A] =	sst lr;
	_ =	strace $0xD0000000  }
0x3: {  	_ = 	snop  }
0x4: {  	_ = 	snop  }
0x5: {  	_ = 	snop  }
0x6: {  	_ = 	snop  }
0x7: {  	_ = 	snop  }
__scs_overlays_trampoline_lowered:
0x8: {  	[smem:$0x3FA9] =	sst s0  }
0x9: {  	[smem:$0x3FAA] =	sst s1  }
0xa: {  	[smem:$0x3FAB] =	sst s2  }
0xb: {  	[smem:$0x3FAC] =	sst s3  }
0xc: {  	[smem:$0x3FAD] =	sst s4  }
0xd: {  	[smem:$0x3FAE] =	sst s5  }
0xe: {  	[smem:$0x3FAF] =	sst s6  }
0xf: {  	[smem:$0x3FB0] =	sst s7  }
0x10: {  	[smem:$0x3FB1] =	sst s8  }
0x11: {  	[smem:$0x3FB2] =	sst s9;
	s0 =	simm.s32 @!p0 $0x0  }
0x12: {  	s1 =	sld [smem:$0x3F98];
	s0 =	simm.s32 @p0 $0x1  }
0x13: {  	[smem:$0x3FB3] =	sst s0;
	s0 =	simm.s32 @!p1 $0x0  }
0x14: {  	s2 =	sld [smem:$0x3F97];
	s0 =	simm.s32 @p1 $0x1  }
0x15: {  	[smem:$0x3FB4] =	sst s0;
	s0 =	simm.s32 @!p2 $0x0  }
0x16: {  	s3 =	sld [smem:$0x3FDB];
	s0 =	simm.s32 @p2 $0x1  }
0x17: {  	s4 =	simm.s32 $0x1BF5;
	[smem:$0x3FB6] =	sst s0  }
0x18: {  	s0 =	sld [smem:$0x3F99];
	_ =	swait.ge [sflag:s4], $0x0  }
0x19: {  	s7 =	sld [smem:$0x3F9A]  }
0x1a: {  	s8 =	sadd.s32 $0xFFFFE003, lr  }
0x1b: {  	s9 =	sadd.s32 $0xFFFFFEF7, lr;
	s5 =	simm.s32 $0xFFFFFFFF;
	p2 =	slt.u32 s8, $0xFFFFF086  }
0x1c: {  	p1 =	slt.u32 s9, $0xF7A;
	s5 =	simm.s32 @!p2 $0x0  }
0x1d: {  	s5 =	simm.s32 @p1 $0x1;
	p0 =	seq.s32 s7, s2  }
0x1e: {  	s7 =	smul.u32 @!p0 $0xF7A, s2;
	p2 =	seq.s32 @!p0 s5, $0x0  }
0x1f: {  	s9 =	smul.u32 $0xF7A, s1;
	s8 =	simm.s32 @!p0 $0x1BF5;
	p2 =	por !p2, p0  }
0x20: {  	[sflag:s8] =	ssyncset.s32 @!p0 $0xFFFFF086;
	s6 =	sadd.s32 @!p0 s3, s7;
	s7 =	simm.s32 @!p0 $0x108  }
0x21: {  	s3 =	sadd.s32 s3, s9;
	s6 =	sadd.s32 @!p0 $0x88, s6;
	s7 =	simm.s32 @p2 $0x1082  }
0x22: {  	[simem:s7], [sflag:s8] =	dma.local @!p0 [hbm:s6], $0xF7A  }
0x23: {  	s9 =	sor.u32 $0xD0000000, s2;
	s6 =	simm.s32 $0x108;
	_ =	swait.ge @!p0 [sflag:s8], $0x0  }
0x24: {  	s3 =	sadd.s32 $0x88, s3;
	s6 =	simm.s32 @!p1 $0x1082;
	[sflag:s4] =	ssyncset.s32 $0xFFFFF086  }
0x25: {  	[simem:s6], [sflag:s4] =	dma.local [hbm:s3], $0xF7A  }
0x26: {  	[smem:$0x3F9A] =	sst s1;
	(tag) =	ssettag s2;
	_ =	strace s9  }
0x27: {  	s1 =	sld [smem:$0x3FAA]  }
0x28: {  	s2 =	sld [smem:$0x3FAB]  }
0x29: {  	s4 =	sld [smem:$0x3FAD]  }
0x2a: {  	p0 =	seq.s32 s5, $0x0;
	s5 =	sld [smem:$0x3FAE]  }
0x2b: {  	s6 =	sld [smem:$0x3FAF]  }
0x2c: {  	s7 =	sld [smem:$0x3FB0]  }
0x2d: {  	s3 =	simm.s32 $0x108;
	s8 =	sld [smem:$0x3FB1]  }
0x2e: {  	s3 =	simm.s32 @!p0 $0x1082;
	s9 =	sld [smem:$0x3FB2]  }
0x2f: {  	lr =	sadd.s32 s0, s3;
	s0 =	sld [smem:$0x3FA9]  }
0x30: {  	s3 =	sld [smem:$0x3FAC]  }
0x31: {  	[smem:$0x3FB5] =	sst s10  }
0x32: {  	s10 =	sld [smem:$0x3FB3];
	_ =	sdelay $0x3  }
0x33: {  	p0 =	seq.s32 s10, $0x1;
	s10 =	sld [smem:$0x3FB5];
	_ =	sdelay $0x3  }
0x34: {  	[smem:$0x3FB5] =	sst s10  }
0x35: {  	s10 =	sld [smem:$0x3FB4];
	_ =	sdelay $0x3  }
0x36: {  	p1 =	seq.s32 s10, $0x1;
	s10 =	sld [smem:$0x3FB5];
	_ =	sdelay $0x3  }
0x37: {  	[smem:$0x3FB5] =	sst s10  }
0x38: {  	s10 =	sld [smem:$0x3FB6]  }
0x39: {  	_ = 	snop;
	(pc) =	sbr.ind lr, $3  }
0x3a: {  	_ = 	snop  }
0x3b: {  	_ = 	snop  }
0x3c: {  	p2 =	seq.s32 s10, $0x1;
	s10 =	sld [smem:$0x3FB5]  }
0x3d: {  	_ =	shalt  }
0x3e: {  	_ =	shalt  }
0x3f: {  	_ =	shalt  }
0x40: {  	_ =	shalt  }
0x41: {  	_ =	shalt  }
0x42: {  	_ =	shalt  }
0x43: {  	_ =	shalt  }
0x44: {  	_ =	shalt  }
0x45: {  	_ =	shalt  }
0x46: {  	_ =	shalt  }
0x47: {  	_ =	shalt  }
0x48: {  	_ =	shalt  }
0x49: {  	_ =	shalt  }
0x4a: {  	_ =	shalt  }
0x4b: {  	_ =	shalt  }
0x4c: {  	_ =	shalt  }
0x4d: {  	_ =	shalt  }
0x4e: {  	_ =	shalt  }
0x4f: {  	_ =	shalt  }
0x50: {  	_ =	shalt  }
0x51: {  	_ =	shalt  }
0x52: {  	_ =	shalt  }
0x53: {  	_ =	shalt  }
0x54: {  	_ =	shalt  }
0x55: {  	_ =	shalt  }
0x56: {  	_ =	shalt  }
0x57: {  	_ =	shalt  }
0x58: {  	_ =	shalt  }
0x59: {  	_ =	shalt  }
0x5a: {  	_ =	shalt  }
0x5b: {  	_ =	shalt  }
0x5c: {  	_ =	shalt  }
0x5d: {  	_ =	shalt  }
0x5e: {  	_ =	shalt  }
0x5f: {  	_ =	shalt  }
0x60: {  	_ =	shalt  }
0x61: {  	_ =	shalt  }
0x62: {  	_ =	shalt  }
0x63: {  	_ =	shalt  }
0x64: {  	_ =	shalt  }
0x65: {  	_ =	shalt  }
0x66: {  	_ =	shalt  }
0x67: {  	_ =	shalt  }
0x68: {  	_ =	shalt  }
0x69: {  	_ =	shalt  }
0x6a: {  	_ =	shalt  }
0x6b: {  	_ =	shalt  }
0x6c: {  	_ =	shalt  }
0x6d: {  	_ =	shalt  }
0x6e: {  	_ =	shalt  }
0x6f: {  	_ =	shalt  }
0x70: {  	_ =	shalt  }
0x71: {  	_ =	shalt  }
0x72: {  	_ =	shalt  }
0x73: {  	_ =	shalt  }
0x74: {  	_ =	shalt  }
0x75: {  	_ =	shalt  }
0x76: {  	_ =	shalt  }
0x77: {  	_ =	shalt  }
0x78: {  	_ =	shalt  }
0x79: {  	_ =	shalt  }
0x7a: {  	_ =	shalt  }
0x7b: {  	_ =	shalt  }
0x7c: {  	_ =	shalt  }
0x7d: {  	_ =	shalt  }
0x7e: {  	_ =	shalt  }
0x7f: {  	_ =	shalt  }
0x80: {  	_ =	shalt  }
0x81: {  	_ =	shalt  }
0x82: {  	_ =	shalt  }
0x83: {  	_ =	shalt  }
0x84: {  	_ =	shalt  }
0x85: {  	_ =	shalt  }
0x86: {  	_ =	shalt  }
0x87: {  	_ =	shalt  }
.Lfunc_end0:
.L_simem_size_0:
called_computation.3_lowered:
.L_overlay_start_0:
0x88: {  	s2 =	sld [smem:$0x3FD9]  }
0x89: {  	s3 =	sld [smem:$0x3FFE];
	_ =	sdelay $0x1  }
0x8a: {  	s1 =	srdreg.scid  }
0x8b: {  	s0 =	sand.u32 $0x1, s1  }
0x8c: {  	s16 =	sshll.u32 s0, $0xA;
	s2 =	sadd.s32 s3, s2  }
0x8d: {  	s2 =	sadd.s32 s2, s16  }
0x8e: {  	[smem:$0x3FC1] =	sst s2  }
0x8f: {  	_ = 	snop  }
0x90: {  	(tm) =	ssettm $0x1  }
0x91: {  	s17 =	sld [smem:$0x3FFB];
	_ =	sdelay $0x3  }
0x92: {  	_ =	strace s17  }
0x93: {  	s2 =	sld [smem:$0x3FFC];
	_ =	sdelay $0x3  }
0x94: {  	_ =	strace s2  }
0x95: {  	s2 =	sld [smem:$0x3FFD];
	_ =	sdelay $0x3  }
0x96: {  	_ =	strace s2  }
0x97: {  	_ =	strace $0x8FFFFFFF  }
0x98: {  	s18 =	sld [smem:$0x3FDB];
	_ =	sdelay $0x1  }
0x99: {  	s19 =	simm.s32 $_scs_section_size  }
0x9a: {  	s4 =	simm.s32 $_size__tile_overlayer_lowered;
	s5 =	simm.s32 $_tile_overlayer_lowered  }
0x9b: {  	s22 =	simm.s32 $0x1BFF;
	s21 =	sshll.u32 s5, $0x1;
	s2 =	sadd.s32 s19, s18  }
0x9c: {  	s6 =	simm.s32 $0x0;
	s20 =	sshll.u32 s4, $0x1;
	s4 =	sadd.s32 s21, s2  }
0x9d: {  	[timem:s6], [sflag:s22] =	dma.local [hbm:s4], s20  }
0x9e: {  	_ =	swait.ge [sflag:s22], s20  }
0x9f: {  	s3 =	ssub.s32 $0x0, s20;
	[sflag:s22] =	ssyncset.done $0x0  }
0xa0: {  	[sflag:s22] =	ssyncadd.s32 s3;
	_ =	sdelay $0x1  }
0xa1: {  	s23 =	simm.s32 $0x1B8B  }
0xa2: {  	_ =	swait.ge [sflag:s23], $0x1  }
0xa3: {  	[sflag:s23] =	ssyncset.done $0x0  }
0xa4: {  	s25 =	simm.s32 $0x1B8E;
	s24 =	sld [smem:$0x3FFE];
	[sflag:s23] =	ssyncadd.s32 $0xFFFFFFFF  }
0xa5: {  	s26 =	simm.s32 $execute0_lowered;
	[smem:$0x3FD2] =	sst s25  }
0xa6: {  	s4 =	sshll.u32 s26, $0x1;
	_ =	strace $0x8000004F;
	[dreg:$0x1] =	wrdreg $0xFFFFFFFF  }
0xa7: {  	s28 =	simm.s32 $_size_execute0_lowered;
	s2 =	sadd.s32 s2, s4;
	[dreg:$0x0] =	wrdreg $0x0  }
0xa8: {  	s4 =	sshll.u32 s28, $0x1;
	[dreg:$0x2] =	wrdreg s2  }
0xa9: {  	[dreg:$0x3] =	wrdreg s4  }
0xaa: {  	[dreg:$0x4] =	wrdreg $0xC0  }
0xab: {  	_ =	task [dreg:s6], $0x5FFFF  }
0xac: {  	[dreg:$0x1] =	wrdreg $0xFFFFFFFF  }
0xad: {  	[dreg:$0x0] =	wrdreg $0x60  }
0xae: {  	[dreg:$0x2] =	wrdreg s24  }
0xaf: {  	[dreg:$0x3] =	wrdreg $0xA8000  }
0xb0: {  	[dreg:$0x4] =	wrdreg $0x9  }
0xb1: {  	_ =	task.clear_ibuf [dreg:s6], $0x5FFFF;
	_ =	strace $0x9000004F  }
0xb2: {  	s29 =	simm.s32 $0x9;
	_ =	strace $0x80000051  }
0xb3: {  	_ =	swait.ge [sflag:s29], $0x1  }
0xb4: {  	[sflag:s29] =	ssyncadd.s32 $0xFFFFFFFF  }
0xb5: {  	_ =	strace $0x90000051  }
0xb6: {  	_ =	sfence  }
0xb7: {  	s30 =	sld [smem:$0x0];
	_ =	sdelay $0x2  }
0xb8: {  	s31 =	sshll.u32 s1, $0xD;
	s1 =	sshrl.u32 s1, $0x2  }
0xb9: {  	s3 =	sand.u32 $0x4000, s31;
	s1 =	sadd.s32 s1, s30  }
0xba: {  	s0 =	sor.u32 s3, s0;
	s1 =	sshll.u32 s1, $0x11  }
0xbb: {  	s0 =	sor.u32 s1, s0  }
0xbc: {  	s0 =	sadd.s32 $0x8F2B, s0  }
0xbd: {  	[sflag:s0] =	ssyncadd.remote.s32 $0x1  }
0xbe: {  	_ =	sfence.sel $0xFFFF  }
0xbf: {  	[dreg:$0x0] =	wrdreg $0xFFFFFFFF;
	(pc) =	sbr.abs _section_cstart, $3  }
0xc0: {  	[dreg:$0x1] =	wrdreg $0xFFFFFFFF  }
0xc1: {  	_ =	task.clear_ibuf [dreg:s6], $0x2FFFF;
	_ =	strace $0x9FFFFFFF  }
0xc2: {  	(tm) =	ssettm $0x7FFFFFFF  }
0xc3: {  	_ =	shalt  }
tec
execute0_lowered:
.L_overlay_start_1:
0x0: {  	(tag) =	ssettag $0x1  }
0x1: {  	s5 =	rddreg [dreg:$0x0]  }
0x2: {  	s1 =	rddreg [dreg:$0x1]  }
0x3: {  	s0 =	rddreg [dreg:$0x2];
	s3 =	simm.s32 $0x0;
	s4 =	srdreg.scid  }
0x4: {  	s2 =	stileid.u32;
	s14 =	simm.s32 $0x50;
	s15 =	simm.s32 $0x8000  }
0x5: {  	s16 =	simm.s32 $0x1;
	s17 =	simm.s32 $0x0;
	[smem:$0x7FF] =	sst s3  }
0x6: {  	s6 =	sand.u32 $0x1, s4;
	s7 =	sshll.u32 s2, $0xB;
	s8 =	smul.u32 $0x14000, s2  }
0x7: {  	s29 =	smul.u32 $0x50000, s2;
	s31 =	sshll.u32 s2, $0x6;
	s4 =	sshll.u32 s6, $0xF  }
0x8: {  	_ =	strace $0x80000050;
	s9 =	smul.u32 $0x140000, s6;
	s6 =	ssub.s32 $0x2, s6  }
0x9: {  	s7 =	sor.u32 s7, s4;
	s4 =	sadd.s32 $0x4BE00, s5;
	s28 =	sshrl.u32 s8, $0x3  }
0xa: {  	s11 =	sshrl.u32 s6, $0x1;
	s30 =	sshrl.u32 s29, $0x2;
	s10 =	sadd.s32 s7, s5  }
0xb: {  	s8 =	sadd.s32 s8, s9;
	s7 =	sadd.s32 s28, s5;
	s11 =	ssub.s32 s6, s11  }
0xc: {  	s13 =	sadd.s32 s30, s1;
	s6 =	sor.u32 $0x1C02, s31;
	s8 =	sshrl.u32 s8, $0x3  }
0xd: {  	s12 =	sadd.s32 s8, s5;
	s5 =	sadd.s32 $0x23E00, s7;
	s7 =	sadd.s32 $0x3E00, s10  }
0xe: {  	s8 =	sadd.s32 $0x13E00, s10;
	s10 =	smax.u32 s11, $0x1;
	s11 =	sshrl.u32 s13, $0x3  }
0xf: {  	s13 =	simm.s32 $0x4000;
	s9 =	sadd.s32 $0x73000, s12;
	s12 =	simm.s32 $0x2  }
.LBB2_1:
0x10: {  	[spmem:s11], [sflag:s6] =	dma.local [hbm:s5], $0x2800  }
0x11: {  	_ =	swait.ge [sflag:s12], $0x2800  }
0x12: {  	[sflag:s12] =	ssyncset.done $0x0  }
0x13: {  	[sflag:s12] =	ssyncadd.s32 $0xFFFFD800  }
0x14: {  	[tilespmem:s3], [sflag:$0x2] =	stream.linear.gather [hbm4b:s7+s3], $0x3E80, $0x38;
	[tilespmem:$0x1E800] =	vst v63  }
0x15: {  	_ =	swait.ge [sflag:s12], $0x3E80  }
0x16: {  	[sflag:s12] =	ssyncset.done $0x0  }
0x17: {  	[sflag:s12] =	ssyncadd.s32 $0xFFFFC180  }
0x18: {  	[tilespmem:s13], [sflag:$0x2] =	stream.linear.gather [hbm4b:s8+s3], $0x3E80, $0x38;
	[tilespmem:$0x1E800] =	vst v63  }
0x19: {  	_ =	swait.ge [sflag:s12], $0x3E80  }
0x1a: {  	[sflag:s12] =	ssyncset.done $0x0  }
0x1b: {  	[sflag:s12] =	ssyncadd.s32 $0xFFFFC180  }
0x1c: {  	s18 =	simm.s32 $0x0;
	[bflag:$0x0] =	sbarrier.arrive $0xFFFF  }
0x1d: {  	[tilespmem:s15], [sflag:$0x1] =	stream.indirect.gather [hbm4b:s4+s14], $0x80, s18, s14, $0xb8;
	[tilespmem:$0x1E800] =	vst v63  }
0x1e: {  	_ =	swait.ge [sflag:s16], $0x2800  }
0x1f: {  	[sflag:s16] =	ssyncset.done $0x0  }
0x20: {  	s31 =	simm.s32 $0x4000;
	[sflag:s16] =	ssyncadd.s32 $0xFFFFD800  }
0x21: {  	[spmem:s1] =	stream.indirect.scatter.add.f32 [tilespmem:s15], [sflag:$0x2], $0x80, s31, s14, $0xb8;
	[tilespmem:$0x1E800] =	vst v63  }
0x22: {  	_ =	swait.ge [sflag:s12], $0x2800  }
0x23: {  	s19 =	simm.s32 $0x400;
	s18 =	simm.s32 $0x200;
	[sflag:s12] =	ssyncset.done $0x0  }
.LBB2_2:
0x24: {  	s20 =	sshra.s32 s18, $0x2  }
0x25: {  	[sflag:s12] =	ssyncadd.s32 $0xFFFFD800;
	s18 =	smov.u32 s19;
	s21 =	sadd.s32 $0x200, s19  }
0x26: {  	[tilespmem:s15], [sflag:$0x1] =	stream.indirect.gather [hbm4b:s4+s14], $0x80, s20, s14, $0xb8;
	[tilespmem:$0x1E800] =	vst v63  }
0x27: {  	p0 =	sne.s32 s19, $0xF800;
	_ =	swait.ge [sflag:s16], $0x2800  }
.Ltmp0:
0x28: {  	[sflag:s16] =	ssyncset.done $0x0;
	(pc) =	sbr.rel @p0 .LBB2_2-.Ltmp0, $4  }
0x29: {  	s19 =	sadd.s32 $0x4000, s20;
	[sflag:s16] =	ssyncadd.s32 $0xFFFFD800  }
0x2a: {  	[spmem:s1] =	stream.indirect.scatter.add.f32 [tilespmem:s15], [sflag:$0x2], $0x80, s19, s14, $0xb8;
	[tilespmem:$0x1E800] =	vst v63  }
0x2b: {  	_ =	swait.ge [sflag:s12], $0x2800  }
0x2c: {  	s19 =	smov.u32 s21;
	[sflag:s12] =	ssyncset.done $0x0  }
0x2d: {  	s18 =	sshra.s32 s18, $0x2;
	[sflag:s12] =	ssyncadd.s32 $0xFFFFD800  }
0x2e: {  	[tilespmem:s15], [sflag:$0x1] =	stream.indirect.gather [hbm4b:s4+s14], $0x80, s18, s14, $0xb8;
	[tilespmem:$0x1E800] =	vst v63  }
0x2f: {  	_ =	swait.ge [sflag:s16], $0x2800  }
0x30: {  	[sflag:s16] =	ssyncset.done $0x0  }
0x31: {  	s18 =	sadd.s32 $0x4000, s18;
	[sflag:s16] =	ssyncadd.s32 $0xFFFFD800  }
0x32: {  	[spmem:s1] =	stream.indirect.scatter.add.f32 [tilespmem:s15], [sflag:$0x2], $0x80, s18, s14, $0xb8;
	[tilespmem:$0x1E800] =	vst v63  }
0x33: {  	_ =	swait.ge [sflag:s12], $0x2800  }
0x34: {  	s17 =	sadd.s32 $0x1, s17;
	[sflag:s12] =	ssyncset.done $0x0  }
0x35: {  	p0 =	sne.s32 s17, s10;
	[sflag:s12] =	ssyncadd.s32 $0xFFFFD800  }
.Ltmp1:
0x36: {  	[bflag:$0x0] =	sbarrier.arrive $0xFFFF;
	(pc) =	sbr.rel @p0 .LBB2_1-.Ltmp1, $4  }
0x37: {  	[hbm:s9], [sflag:s6] =	dma.local [spmem:s11], $0x2800  }
0x38: {  	_ =	swait.ge [sflag:s12], $0x2800  }
0x39: {  	[sflag:s12] =	ssyncset.done $0x0  }
0x3a: {  	[sflag:s12] =	ssyncadd.s32 $0xFFFFD800  }
0x3b: {  	_ =	sfence.sel $0x180000  }
0x3c: {  	[bflag:$0x0] =	sbarrier.arrive $0xFFFF  }
0x3d: {  	p0 =	sne.s32 s2, $0x0;
	_ =	strace $0x90000050  }
0x3e: {  	s0 =	sadd.s32 @!p0 $0x100000, s0;
	[bflag:$0x2] =	sbarrier.arrive $0xFFFF  }
0x3f: {  	[sflag:s0] =	ssyncadd.tile.s32 @!p0 $0x1;
	_ =	shalt  }
.Lfunc_end2:
_tile_overlayer_lowered:
.L_overlay_start_2:
0x40: {  	(tag) =	ssettag $0x2  }
0x41: {  	s0 =	rddreg [dreg:$0x0];
	s2 =	stileid.u32  }
0x42: {  	s1 =	rddreg [dreg:$0x1];
	p0 =	sne.s32 s2, $0x0  }
0x43: {  	s3 =	rddreg [dreg:$0x2];
	[bflag:$0x3] =	sbarrier.arrive $0xFFFF;
	s2 =	simm.s32 @!p0 $0x1C02  }
0x44: {  	[timem:s3], [sflag:s2] =	dma.local @!p0 [hbm:s0], s1  }
0x45: {  	s0 =	simm.s32 @!p0 $0x2  }
0x46: {  	_ =	swait.ge @!p0 [sflag:s0], s1  }
0x47: {  	s1 =	ssub.s32 @!p0 $0x0, s1;
	[sflag:s0] =	ssyncset.done @!p0 $0x0  }
0x48: {  	[sflag:s0] =	ssyncadd.s32 @!p0 s1  }
0x49: {  	[bflag:$0x3] =	sbarrier.arrive $0xFFFF  }
0x4a: {  	_ =	shalt  }

</sc_bundles>
